<compile_context>
chip_gen: v7x
topology: tpu7x:2x2x1
jax: 0.10.2.dev20260603
libtpu: 0.0.44.dev20260713+nightly
codegen_flags: <defaults>
</compile_context>

<pallas_src>
import functools

import jax
import jax.numpy as jnp
from jax import lax
from jax.experimental import pallas as pl
from jax.experimental.pallas import tpu as pltpu
from jax.experimental.pallas import tpu_sc as plsc

_CONTACT_W = 2.5
_INSIDE_W = 1.0
_A1 = 0.005
_A2 = 0.005
_B1 = 1.0
_B2 = 0.04

_R = 512
_FAR = 1e7


def _contact_body(nb, pts_ref, cols_ref, j_ref, enc_ref, out_ref, min_ref):
    j = pl.program_id(1)
    rows = pts_ref[0]
    cols = cols_ref[0]

    sq_r = jnp.sum(rows * rows, axis=1, keepdims=True)
    sq_c = jnp.sum(cols * cols, axis=0, keepdims=True)
    crossm2 = jnp.dot(
        (rows * jnp.float32(-2.0)).astype(jnp.bfloat16),
        cols.astype(jnp.bfloat16),
        preferred_element_type=jnp.float32,
    )
    acc = (sq_r + sq_c) + crossm2

    acc = jnp.where(j_ref[...] == j * _R, jnp.float32(1e10), acc)
    pm = jnp.min(acc, axis=0, keepdims=True)

    @pl.when(j == 0)
    def _():
        min_ref[0:1, :] = pm

    @pl.when(j > 0)
    def _():
        min_ref[0:1, :] = jnp.minimum(min_ref[0:1, :], pm)

    @pl.when(j == nb - 1)
    def _():
        m = min_ref[0:1, :]
        v = jnp.sqrt(jnp.maximum(m, jnp.float32(1e-12)))
        t1 = jnp.tanh(v * jnp.float32(1.0 / _A2))
        t2 = jnp.tanh(v * jnp.float32(1.0 / _B2))
        enc = enc_ref[0]
        lossv = jnp.where(
            enc == jnp.float32(1.0),
            jnp.float32(_CONTACT_W * _A1) * (t1 * t1),
            jnp.where(enc == jnp.float32(0.0),
                      jnp.float32(_INSIDE_W * _B1) * (t2 * t2),
                      jnp.float32(0.0)),
        )
        out_ref[0] = jnp.full((1, 128), jnp.sum(lossv), jnp.float32)


def _sc_sqrt(x):
    xi = lax.bitcast_convert_type(x, jnp.int32)
    y = lax.bitcast_convert_type(
        jnp.int32(0x5F3759DF) - lax.shift_right_logical(xi, 1), jnp.float32
    )
    hx = x * jnp.float32(0.5)
    for _ in range(3):
        t = (hx * y) * y
        y = y * (jnp.float32(1.5) - t)
    return x * y


def _fal_sc_body(vx, vy, vz, fa, fb, fc, fic_hbm, out_hbm,
                 fic_v, vid, crd, outv, sems):
    wid = lax.axis_index("s") * 2 + lax.axis_index("c")
    base = wid * 16
    half = fic_hbm.shape[0] // 2
    pltpu.sync_copy(fic_hbm.at[pl.ds(base, 16)], fic_v.at[pl.ds(0, 16)])
    pltpu.sync_copy(fic_hbm.at[pl.ds(half + base, 16)], fic_v.at[pl.ds(16, 16)])
    cps = [
        pltpu.async_copy(t.at[fic_v], vid.at[k], sems.at[k])
        for k, t in enumerate((fa, fb, fc))
    ]
    for cp in cps:
        cp.wait()
    cps = []
    for k in range(3):
        for d, t in enumerate((vx, vy, vz)):
            i = k * 3 + d
            cps.append(pltpu.async_copy(t.at[vid.at[k]], crd.at[i], sems.at[i]))
    for cp in cps:
        cp.wait()

    def coord(s, k, d):
        return crd[k * 3 + d, pl.ds(s * 16, 16)]

    comps = []
    norms = []
    for s in range(2):
        a = [coord(s, 0, d) for d in range(3)]
        e1 = [coord(s, 1, d) - a[d] for d in range(3)]
        e2 = [coord(s, 2, d) - a[d] for d in range(3)]
        nx = e1[1] * e2[2] - e1[2] * e2[1]
        ny = e1[2] * e2[0] - e1[0] * e2[2]
        nz = e1[0] * e2[1] - e1[1] * e2[0]
        comps.append((nx, ny, nz))
        norms.append(_sc_sqrt(nx * nx + ny * ny + nz * nz))
    d12 = (
        comps[0][0] * comps[1][0]
        + comps[0][1] * comps[1][1]
        + comps[0][2] * comps[1][2]
    )
    eps = jnp.float32(1e-12)
    dotn = d12 / ((norms[0] + eps) * (norms[1] + eps))
    total = jnp.float32(1.0) + dotn
    ids = lax.iota(jnp.int32, 16)
    for sh in (1, 2, 4, 8):
        rot = (ids + sh) & 15
        total = total + total.at[rot].get(mode="promise_in_bounds")
    outv[...] = total
    pltpu.sync_copy(outv, out_hbm.at[wid])


def kernel(vertices, faces, exterior, faces_in_contact):
    bs = vertices.shape[0]
    n_hd = exterior.shape[1]
    hd = vertices[:, ::3]
    np_ = ((n_hd + _R - 1) // _R) * _R
    nb = np_ // _R

    pts = jnp.pad(hd, ((0, 0), (0, np_ - n_hd), (0, 0)), constant_values=_FAR)
    cols = jnp.transpose(pts, (0, 2, 1))
    enc = jnp.pad(
        exterior.astype(jnp.float32), ((0, 0), (0, np_ - n_hd)),
        constant_values=-1.0,
    )[:, None, :]
    jmat = (
        jnp.arange(np_, dtype=jnp.int32)[None, :]
        - jnp.arange(_R, dtype=jnp.int32)[:, None]
    )

    contact_out = pl.pallas_call(
        functools.partial(_contact_body, nb),
        grid=(bs, nb),
        in_specs=[
            pl.BlockSpec((1, _R, 3), lambda b, j: (b, j, 0)),
            pl.BlockSpec((1, 3, np_), lambda b, j: (b, 0, 0)),
            pl.BlockSpec((_R, np_), lambda b, j: (0, 0)),
            pl.BlockSpec((1, 1, np_), lambda b, j: (b, 0, 0)),
        ],
        out_specs=pl.BlockSpec((1, 1, 128), lambda b, j: (b, 0, 0)),
        out_shape=jax.ShapeDtypeStruct((bs, 1, 128), jnp.float32),
        scratch_shapes=[pltpu.VMEM((8, np_), jnp.float32)],
        compiler_params=pltpu.CompilerParams(
            dimension_semantics=("arbitrary", "arbitrary")
        ),
    )(pts, cols, jmat, enc)
    contactloss = contact_out[:, 0, 0]

    vcols = [vertices[bs - 1, :, d] for d in range(3)]
    fcols = [faces[:, k] for k in range(3)]
    fic_flat = faces_in_contact[bs - 1].reshape(-1)

    mesh = plsc.VectorSubcoreMesh(
        core_axis_name="c", subcore_axis_name="s", num_cores=2, num_subcores=16
    )
    fal_parts = pl.kernel(
        _fal_sc_body,
        out_type=jax.ShapeDtypeStruct((32, 16), jnp.float32),
        mesh=mesh,
        scratch_types=[
            pltpu.VMEM((32,), jnp.int32),
            pltpu.VMEM((3, 32), jnp.int32),
            pltpu.VMEM((9, 32), jnp.float32),
            pltpu.VMEM((16,), jnp.float32),
            pltpu.SemaphoreType.DMA((9,)),
        ],
    )(*vcols, *fcols, fic_flat)
    fal = jnp.sum(fal_parts[:, 0])
    face_angle_loss = jnp.zeros((bs,), dtype=vertices.dtype).at[bs - 1].set(fal)
    return (contactloss, face_angle_loss)

# --- scband reference (transcript-rebuilt; emitter-appended) ---
"""Pipeline reference for scband-self-contact-loss-5403068858814 (READ-ONLY COPY).

The authoritative reference and input builder live on the scoring server;
editing this copy changes nothing except your own understanding.
"""

import jax, jax.numpy as jnp
import numpy as np

CONTACT_W = 2.5
INSIDE_W = 1.0
A1 = 0.005
A2 = 0.005
B1 = 1.0
B2 = 0.04
BS = 4
V = 10475
F = 20908
HD_STRIDE = 3
N_HD = (V + HD_STRIDE - 1) // HD_STRIDE
N_CONTACT = 512


def batch_face_normals(triangles):
    e1 = triangles[..., 1, :] - triangles[..., 0, :]
    e2 = triangles[..., 2, :] - triangles[..., 0, :]
    n = jnp.cross(e1, e2)
    return n / (jnp.linalg.norm(n, axis=-1, keepdims=True) + 1e-12)


def setup_inputs(seed: int = 0) -> dict:
    key = jax.random.key(seed)
    k1, k2, k3, k4 = jax.random.split(key, 4)
    vertices = jax.random.normal(k1, (BS, V, 3), dtype=jnp.float32) * 0.5
    faces = jax.random.randint(k2, (F, 3), 0, V, dtype=jnp.int32)
    exterior = jax.random.randint(k3, (BS, N_HD), 0, 2, dtype=jnp.int32) == 1
    faces_in_contact = jax.random.randint(k4, (BS, 2, N_CONTACT), 0, F, dtype=jnp.int32)
    return {"vertices": vertices, "faces": faces, "exterior": exterior,
            "faces_in_contact": faces_in_contact}


def reference(vertices, faces, exterior, faces_in_contact):
    bs = vertices.shape[0]
    # cm.triangles(vertices): gather face corner vertices
    triangles = vertices[:, faces]              # [bs, F, 3, 3]
    face_normals = batch_face_normals(triangles)  # [bs, F, 3]
    pulls = []
    pushes = []
    fal_last = jnp.float32(0.0)
    diag_mask = jnp.eye(N_HD, dtype=jnp.float32) * 1e10
    for idx in range(bs):
        # hd point sampling (use_hd=True path of cm.segment_vertices)
        hd = vertices[idx, ::HD_STRIDE]          # [N_HD, 3]
        sq = jnp.sum(hd * hd, axis=1)
        d2 = sq[:, None] + sq[None, :] - 2.0 * (hd @ hd.T)
        d2 = d2 + diag_mask
        v2v_min = jnp.sqrt(jnp.maximum(jnp.min(d2, axis=1), 1e-12))  # hd_v2v_min[idx]
        ext = exterior[idx]                      # hd_exterior[idx]
        pull = CONTACT_W * jnp.sum(jnp.where(ext, A1 * jnp.tanh(v2v_min / A2) ** 2, 0.0))
        push = INSIDE_W * jnp.sum(jnp.where(~ext, B1 * jnp.tanh(v2v_min / B2) ** 2, 0.0))
        pulls.append(pull)
        pushes.append(push)
        # align_faces: hd faces in contact
        fic = faces_in_contact[idx]              # [2, C]
        fn = face_normals[idx][fic]              # [2, C, 3]
        dotprod_normals = 1.0 + jnp.sum(fn[0] * fn[1], axis=1)
        fal_last = jnp.sum(dotprod_normals)
    v2v_pull = jnp.stack(pulls)
    v2v_push = jnp.stack(pushes)
    # faithful to torch code: face_angle_loss is re-zeroed every loop iteration,
    # so only the last batch index survives
    face_angle_loss = jnp.zeros(bs, dtype=vertices.dtype).at[bs - 1].set(fal_last)
    contactloss = v2v_pull + v2v_push
    return (contactloss, face_angle_loss)

if __name__ == "__main__":
    import jax
    _d = setup_inputs()
    print(jax.jit(kernel)(*tuple(_d.values())))

</pallas_src>

<mosaic_0001>
#map = affine_map<(d0, d1) -> (0)>
#map1 = affine_map<(d0, d1) -> (0, 0)>
module attributes {stable_mosaic.version = 14 : i64} {
  func.func @_fal_sc_body(%arg0: i32, %arg1: i32, %arg2: memref<10475xf32, #tpu.memory_space<hbm>>, %arg3: memref<10475xf32, #tpu.memory_space<hbm>>, %arg4: memref<10475xf32, #tpu.memory_space<hbm>>, %arg5: memref<20908xi32, #tpu.memory_space<hbm>>, %arg6: memref<20908xi32, #tpu.memory_space<hbm>>, %arg7: memref<20908xi32, #tpu.memory_space<hbm>>, %arg8: memref<1024xi32, #tpu.memory_space<hbm>>, %arg9: memref<32x16xf32, #tpu.memory_space<hbm>>, %arg10: memref<32xi32, #tpu.memory_space<vmem>>, %arg11: memref<3x32xi32, #tpu.memory_space<vmem>>, %arg12: memref<9x32xf32, #tpu.memory_space<vmem>>, %arg13: memref<16xf32, #tpu.memory_space<vmem>>, %arg14: memref<9x!tpu.dma_semaphore, #tpu.memory_space<semaphore_mem>>) attributes {dimension_semantics = [#tpu.dimension_semantics<core_parallel>, #tpu.dimension_semantics<subcore_parallel>], iteration_bounds = array<i64: 2, 16>, scalar_prefetch = 0 : i64, scratch_operands = 5 : i64, tpu.core_type = #tpu.core_type<sc_vector_subcore>, window_params = [{transform_indices = #map}, {transform_indices = #map}, {transform_indices = #map}, {transform_indices = #map}, {transform_indices = #map}, {transform_indices = #map}, {transform_indices = #map}, {transform_indices = #map1}]} {
    %mul3A = arith.constant 2 : i32
    %mul3A_0 = arith.muli %arg1, %mul3A : i32
    %add3A = arith.addi %mul3A_0, %arg0 : i32
    %mul3A_1 = arith.constant 16 : i32
    %mul3A_2 = arith.muli %add3A, %mul3A_1 : i32
    "tpu.region"() ({
      %run_scoped3A = tpu.sem_alloc : memref<!tpu.dma_semaphore, #tpu.memory_space<semaphore_mem>>
      %dma_start3A_558 = arith.constant 0 : i32
      %dma_start3A_559 = tpu.memref_slice %arg10[%dma_start3A_558] : memref<32xi32, #tpu.memory_space<vmem>> -> memref<16xi32, #tpu.memory_space<vmem>>
      %dma_start3A_560 = tpu.memref_slice %arg8[%mul3A_2] : memref<1024xi32, #tpu.memory_space<hbm>> -> memref<16xi32, #tpu.memory_space<hbm>>
      %dma_start3A_561 = arith.constant 0 : i32
      %dma_start3A_562 = tpu.memref_slice %arg10[%dma_start3A_561] : memref<32xi32, #tpu.memory_space<vmem>> -> memref<16xi32, #tpu.memory_space<vmem>>
      %dma_start3A_563 = tpu.memref_slice %arg8[%mul3A_2] : memref<1024xi32, #tpu.memory_space<hbm>> -> memref<16xi32, #tpu.memory_space<hbm>>
      tpu.enqueue_dma source(%dma_start3A_563 : memref<16xi32, #tpu.memory_space<hbm>>) target(%dma_start3A_562 : memref<16xi32, #tpu.memory_space<vmem>>) target_semaphore(%run_scoped3A : memref<!tpu.dma_semaphore, #tpu.memory_space<semaphore_mem>>)
      %dma_wait3A_564 = arith.constant 0 : i32
      %dma_wait3A_565 = tpu.memref_slice %arg10[%dma_wait3A_564] : memref<32xi32, #tpu.memory_space<vmem>> -> memref<16xi32, #tpu.memory_space<vmem>>
      %dma_wait3A_566 = tpu.memref_slice %arg8[%mul3A_2] : memref<1024xi32, #tpu.memory_space<hbm>> -> memref<16xi32, #tpu.memory_space<hbm>>
      %dma_wait3A_567 = arith.constant 0 : i32
      %dma_wait3A_568 = tpu.memref_slice %arg10[%dma_wait3A_567] : memref<32xi32, #tpu.memory_space<vmem>> -> memref<16xi32, #tpu.memory_space<vmem>>
      %dma_wait3A_569 = tpu.memref_slice %arg8[%mul3A_2] : memref<1024xi32, #tpu.memory_space<hbm>> -> memref<16xi32, #tpu.memory_space<hbm>>
      tpu.wait_dma2 semaphore(%run_scoped3A : memref<!tpu.dma_semaphore, #tpu.memory_space<semaphore_mem>>) src(%dma_wait3A_569 : memref<16xi32, #tpu.memory_space<hbm>>) dst(%dma_wait3A_568 : memref<16xi32, #tpu.memory_space<vmem>>)
      tpu.yield
    }) : () -> ()
    %add3A_3 = arith.constant 512 : i32
    %add3A_4 = arith.addi %add3A_3, %mul3A_2 : i32
    "tpu.region"() ({
      %run_scoped3A = tpu.sem_alloc : memref<!tpu.dma_semaphore, #tpu.memory_space<semaphore_mem>>
      %dma_start3A_558 = arith.constant 16 : i32
      %dma_start3A_559 = tpu.memref_slice %arg10[%dma_start3A_558] : memref<32xi32, #tpu.memory_space<vmem>> -> memref<16xi32, #tpu.memory_space<vmem>>
      %dma_start3A_560 = tpu.memref_slice %arg8[%add3A_4] : memref<1024xi32, #tpu.memory_space<hbm>> -> memref<16xi32, #tpu.memory_space<hbm>>
      %dma_start3A_561 = arith.constant 16 : i32
      %dma_start3A_562 = tpu.memref_slice %arg10[%dma_start3A_561] : memref<32xi32, #tpu.memory_space<vmem>> -> memref<16xi32, #tpu.memory_space<vmem>>
      %dma_start3A_563 = tpu.memref_slice %arg8[%add3A_4] : memref<1024xi32, #tpu.memory_space<hbm>> -> memref<16xi32, #tpu.memory_space<hbm>>
      tpu.enqueue_dma source(%dma_start3A_563 : memref<16xi32, #tpu.memory_space<hbm>>) target(%dma_start3A_562 : memref<16xi32, #tpu.memory_space<vmem>>) target_semaphore(%run_scoped3A : memref<!tpu.dma_semaphore, #tpu.memory_space<semaphore_mem>>)
      %dma_wait3A_564 = arith.constant 16 : i32
      %dma_wait3A_565 = tpu.memref_slice %arg10[%dma_wait3A_564] : memref<32xi32, #tpu.memory_space<vmem>> -> memref<16xi32, #tpu.memory_space<vmem>>
      %dma_wait3A_566 = tpu.memref_slice %arg8[%add3A_4] : memref<1024xi32, #tpu.memory_space<hbm>> -> memref<16xi32, #tpu.memory_space<hbm>>
      %dma_wait3A_567 = arith.constant 16 : i32
      %dma_wait3A_568 = tpu.memref_slice %arg10[%dma_wait3A_567] : memref<32xi32, #tpu.memory_space<vmem>> -> memref<16xi32, #tpu.memory_space<vmem>>
      %dma_wait3A_569 = tpu.memref_slice %arg8[%add3A_4] : memref<1024xi32, #tpu.memory_space<hbm>> -> memref<16xi32, #tpu.memory_space<hbm>>
      tpu.wait_dma2 semaphore(%run_scoped3A : memref<!tpu.dma_semaphore, #tpu.memory_space<semaphore_mem>>) src(%dma_wait3A_569 : memref<16xi32, #tpu.memory_space<hbm>>) dst(%dma_wait3A_568 : memref<16xi32, #tpu.memory_space<vmem>>)
      tpu.yield
    }) : () -> ()
    %dma_start3A = arith.constant 0 : i32
    %dma_start3A_5 = arith.constant 0 : i32
    %dma_start3A_6 = arith.constant 0 : i32
    %dma_start3A_7 = tpu.memref_slice %arg11[%dma_start3A, %dma_start3A_6] : memref<3x32xi32, #tpu.memory_space<vmem>> -> memref<1x32xi32, #tpu.memory_space<vmem>>
    %dma_start3A_8 = tpu.memref_squeeze %dma_start3A_7 : memref<1x32xi32, #tpu.memory_space<vmem>> -> memref<32xi32, #tpu.memory_space<vmem>>
    %dma_start3A_9 = arith.constant 0 : i32
    %dma_start3A_10 = tpu.memref_slice %arg5[%dma_start3A_9] : memref<20908xi32, #tpu.memory_space<hbm>> -> memref<20908xi32, #tpu.memory_space<hbm>>
    %dma_start3A_11 = tpu.memref_slice %arg14[%dma_start3A_5] : memref<9x!tpu.dma_semaphore, #tpu.memory_space<semaphore_mem>> -> memref<1x!tpu.dma_semaphore, #tpu.memory_space<semaphore_mem>>
    %dma_start3A_12 = tpu.memref_squeeze %dma_start3A_11 : memref<1x!tpu.dma_semaphore, #tpu.memory_space<semaphore_mem>> -> memref<!tpu.dma_semaphore, #tpu.memory_space<semaphore_mem>>
    tpu.enqueue_indirect_dma source(%dma_start3A_10 : memref<20908xi32, #tpu.memory_space<hbm>>) target(%dma_start3A_8 : memref<32xi32, #tpu.memory_space<vmem>>) offsets(%arg10 : memref<32xi32, #tpu.memory_space<vmem>>) semaphore(%dma_start3A_12 : memref<!tpu.dma_semaphore, #tpu.memory_space<semaphore_mem>>)
    %dma_start3A_13 = arith.constant 1 : i32
    %dma_start3A_14 = arith.constant 1 : i32
    %dma_start3A_15 = arith.constant 0 : i32
    %dma_start3A_16 = tpu.memref_slice %arg11[%dma_start3A_13, %dma_start3A_15] : memref<3x32xi32, #tpu.memory_space<vmem>> -> memref<1x32xi32, #tpu.memory_space<vmem>>
    %dma_start3A_17 = tpu.memref_squeeze %dma_start3A_16 : memref<1x32xi32, #tpu.memory_space<vmem>> -> memref<32xi32, #tpu.memory_space<vmem>>
    %dma_start3A_18 = arith.constant 0 : i32
    %dma_start3A_19 = tpu.memref_slice %arg6[%dma_start3A_18] : memref<20908xi32, #tpu.memory_space<hbm>> -> memref<20908xi32, #tpu.memory_space<hbm>>
    %dma_start3A_20 = tpu.memref_slice %arg14[%dma_start3A_14] : memref<9x!tpu.dma_semaphore, #tpu.memory_space<semaphore_mem>> -> memref<1x!tpu.dma_semaphore, #tpu.memory_space<semaphore_mem>>
    %dma_start3A_21 = tpu.memref_squeeze %dma_start3A_20 : memref<1x!tpu.dma_semaphore, #tpu.memory_space<semaphore_mem>> -> memref<!tpu.dma_semaphore, #tpu.memory_space<semaphore_mem>>
    tpu.enqueue_indirect_dma source(%dma_start3A_19 : memref<20908xi32, #tpu.memory_space<hbm>>) target(%dma_start3A_17 : memref<32xi32, #tpu.memory_space<vmem>>) offsets(%arg10 : memref<32xi32, #tpu.memory_space<vmem>>) semaphore(%dma_start3A_21 : memref<!tpu.dma_semaphore, #tpu.memory_space<semaphore_mem>>)
    %dma_start3A_22 = arith.constant 2 : i32
    %dma_start3A_23 = arith.constant 2 : i32
    %dma_start3A_24 = arith.constant 0 : i32
    %dma_start3A_25 = tpu.memref_slice %arg11[%dma_start3A_22, %dma_start3A_24] : memref<3x32xi32, #tpu.memory_space<vmem>> -> memref<1x32xi32, #tpu.memory_space<vmem>>
    %dma_start3A_26 = tpu.memref_squeeze %dma_start3A_25 : memref<1x32xi32, #tpu.memory_space<vmem>> -> memref<32xi32, #tpu.memory_space<vmem>>
    %dma_start3A_27 = arith.constant 0 : i32
    %dma_start3A_28 = tpu.memref_slice %arg7[%dma_start3A_27] : memref<20908xi32, #tpu.memory_space<hbm>> -> memref<20908xi32, #tpu.memory_space<hbm>>
    %dma_start3A_29 = tpu.memref_slice %arg14[%dma_start3A_23] : memref<9x!tpu.dma_semaphore, #tpu.memory_space<semaphore_mem>> -> memref<1x!tpu.dma_semaphore, #tpu.memory_space<semaphore_mem>>
    %dma_start3A_30 = tpu.memref_squeeze %dma_start3A_29 : memref<1x!tpu.dma_semaphore, #tpu.memory_space<semaphore_mem>> -> memref<!tpu.dma_semaphore, #tpu.memory_space<semaphore_mem>>
    tpu.enqueue_indirect_dma source(%dma_start3A_28 : memref<20908xi32, #tpu.memory_space<hbm>>) target(%dma_start3A_26 : memref<32xi32, #tpu.memory_space<vmem>>) offsets(%arg10 : memref<32xi32, #tpu.memory_space<vmem>>) semaphore(%dma_start3A_30 : memref<!tpu.dma_semaphore, #tpu.memory_space<semaphore_mem>>)
    %dma_wait3A = arith.constant 0 : i32
    %dma_wait3A_31 = arith.constant 0 : i32
    %dma_wait3A_32 = arith.constant 0 : i32
    %dma_wait3A_33 = tpu.memref_slice %arg11[%dma_wait3A, %dma_wait3A_32] : memref<3x32xi32, #tpu.memory_space<vmem>> -> memref<1x32xi32, #tpu.memory_space<vmem>>
    %dma_wait3A_34 = tpu.memref_squeeze %dma_wait3A_33 : memref<1x32xi32, #tpu.memory_space<vmem>> -> memref<32xi32, #tpu.memory_space<vmem>>
    %dma_wait3A_35 = arith.constant 0 : i32
    %dma_wait3A_36 = tpu.memref_slice %arg5[%dma_wait3A_35] : memref<20908xi32, #tpu.memory_space<hbm>> -> memref<20908xi32, #tpu.memory_space<hbm>>
    %dma_wait3A_37 = tpu.memref_slice %arg14[%dma_wait3A_31] : memref<9x!tpu.dma_semaphore, #tpu.memory_space<semaphore_mem>> -> memref<1x!tpu.dma_semaphore, #tpu.memory_space<semaphore_mem>>
    %dma_wait3A_38 = tpu.memref_squeeze %dma_wait3A_37 : memref<1x!tpu.dma_semaphore, #tpu.memory_space<semaphore_mem>> -> memref<!tpu.dma_semaphore, #tpu.memory_space<semaphore_mem>>
    tpu.wait_indirect_dma semaphore(%dma_wait3A_38 : memref<!tpu.dma_semaphore, #tpu.memory_space<semaphore_mem>>) src(%dma_wait3A_36 : memref<20908xi32, #tpu.memory_space<hbm>>) dst(%dma_wait3A_34 : memref<32xi32, #tpu.memory_space<vmem>>)
    %dma_wait3A_39 = arith.constant 1 : i32
    %dma_wait3A_40 = arith.constant 1 : i32
    %dma_wait3A_41 = arith.constant 0 : i32
    %dma_wait3A_42 = tpu.memref_slice %arg11[%dma_wait3A_39, %dma_wait3A_41] : memref<3x32xi32, #tpu.memory_space<vmem>> -> memref<1x32xi32, #tpu.memory_space<vmem>>
    %dma_wait3A_43 = tpu.memref_squeeze %dma_wait3A_42 : memref<1x32xi32, #tpu.memory_space<vmem>> -> memref<32xi32, #tpu.memory_space<vmem>>
    %dma_wait3A_44 = arith.constant 0 : i32
    %dma_wait3A_45 = tpu.memref_slice %arg6[%dma_wait3A_44] : memref<20908xi32, #tpu.memory_space<hbm>> -> memref<20908xi32, #tpu.memory_space<hbm>>
    %dma_wait3A_46 = tpu.memref_slice %arg14[%dma_wait3A_40] : memref<9x!tpu.dma_semaphore, #tpu.memory_space<semaphore_mem>> -> memref<1x!tpu.dma_semaphore, #tpu.memory_space<semaphore_mem>>
    %dma_wait3A_47 = tpu.memref_squeeze %dma_wait3A_46 : memref<1x!tpu.dma_semaphore, #tpu.memory_space<semaphore_mem>> -> memref<!tpu.dma_semaphore, #tpu.memory_space<semaphore_mem>>
    tpu.wait_indirect_dma semaphore(%dma_wait3A_47 : memref<!tpu.dma_semaphore, #tpu.memory_space<semaphore_mem>>) src(%dma_wait3A_45 : memref<20908xi32, #tpu.memory_space<hbm>>) dst(%dma_wait3A_43 : memref<32xi32, #tpu.memory_space<vmem>>)
    %dma_wait3A_48 = arith.constant 2 : i32
    %dma_wait3A_49 = arith.constant 2 : i32
    %dma_wait3A_50 = arith.constant 0 : i32
    %dma_wait3A_51 = tpu.memref_slice %arg11[%dma_wait3A_48, %dma_wait3A_50] : memref<3x32xi32, #tpu.memory_space<vmem>> -> memref<1x32xi32, #tpu.memory_space<vmem>>
    %dma_wait3A_52 = tpu.memref_squeeze %dma_wait3A_51 : memref<1x32xi32, #tpu.memory_space<vmem>> -> memref<32xi32, #tpu.memory_space<vmem>>
    %dma_wait3A_53 = arith.constant 0 : i32
    %dma_wait3A_54 = tpu.memref_slice %arg7[%dma_wait3A_53] : memref<20908xi32, #tpu.memory_space<hbm>> -> memref<20908xi32, #tpu.memory_space<hbm>>
    %dma_wait3A_55 = tpu.memref_slice %arg14[%dma_wait3A_49] : memref<9x!tpu.dma_semaphore, #tpu.memory_space<semaphore_mem>> -> memref<1x!tpu.dma_semaphore, #tpu.memory_space<semaphore_mem>>
    %dma_wait3A_56 = tpu.memref_squeeze %dma_wait3A_55 : memref<1x!tpu.dma_semaphore, #tpu.memory_space<semaphore_mem>> -> memref<!tpu.dma_semaphore, #tpu.memory_space<semaphore_mem>>
    tpu.wait_indirect_dma semaphore(%dma_wait3A_56 : memref<!tpu.dma_semaphore, #tpu.memory_space<semaphore_mem>>) src(%dma_wait3A_54 : memref<20908xi32, #tpu.memory_space<hbm>>) dst(%dma_wait3A_52 : memref<32xi32, #tpu.memory_space<vmem>>)
    %dma_start3A_57 = arith.constant 0 : i32
    %dma_start3A_58 = arith.constant 0 : i32
    %dma_start3A_59 = arith.constant 0 : i32
    %dma_start3A_60 = arith.constant 0 : i32
    %dma_start3A_61 = tpu.memref_slice %arg12[%dma_start3A_58, %dma_start3A_60] : memref<9x32xf32, #tpu.memory_space<vmem>> -> memref<1x32xf32, #tpu.memory_space<vmem>>
    %dma_start3A_62 = tpu.memref_squeeze %dma_start3A_61 : memref<1x32xf32, #tpu.memory_space<vmem>> -> memref<32xf32, #tpu.memory_space<vmem>>
    %dma_start3A_63 = arith.constant 0 : i32
    %dma_start3A_64 = tpu.memref_slice %arg11[%dma_start3A_57, %dma_start3A_63] : memref<3x32xi32, #tpu.memory_space<vmem>> -> memref<1x32xi32, #tpu.memory_space<vmem>>
    %dma_start3A_65 = tpu.memref_squeeze %dma_start3A_64 : memref<1x32xi32, #tpu.memory_space<vmem>> -> memref<32xi32, #tpu.memory_space<vmem>>
    %dma_start3A_66 = arith.constant 0 : i32
    %dma_start3A_67 = tpu.memref_slice %arg2[%dma_start3A_66] : memref<10475xf32, #tpu.memory_space<hbm>> -> memref<10475xf32, #tpu.memory_space<hbm>>
    %dma_start3A_68 = tpu.memref_slice %arg14[%dma_start3A_59] : memref<9x!tpu.dma_semaphore, #tpu.memory_space<semaphore_mem>> -> memref<1x!tpu.dma_semaphore, #tpu.memory_space<semaphore_mem>>
    %dma_start3A_69 = tpu.memref_squeeze %dma_start3A_68 : memref<1x!tpu.dma_semaphore, #tpu.memory_space<semaphore_mem>> -> memref<!tpu.dma_semaphore, #tpu.memory_space<semaphore_mem>>
    tpu.enqueue_indirect_dma source(%dma_start3A_67 : memref<10475xf32, #tpu.memory_space<hbm>>) target(%dma_start3A_62 : memref<32xf32, #tpu.memory_space<vmem>>) offsets(%dma_start3A_65 : memref<32xi32, #tpu.memory_space<vmem>>) semaphore(%dma_start3A_69 : memref<!tpu.dma_semaphore, #tpu.memory_space<semaphore_mem>>)
    %dma_start3A_70 = arith.constant 0 : i32
    %dma_start3A_71 = arith.constant 1 : i32
    %dma_start3A_72 = arith.constant 1 : i32
    %dma_start3A_73 = arith.constant 0 : i32
    %dma_start3A_74 = tpu.memref_slice %arg12[%dma_start3A_71, %dma_start3A_73] : memref<9x32xf32, #tpu.memory_space<vmem>> -> memref<1x32xf32, #tpu.memory_space<vmem>>
    %dma_start3A_75 = tpu.memref_squeeze %dma_start3A_74 : memref<1x32xf32, #tpu.memory_space<vmem>> -> memref<32xf32, #tpu.memory_space<vmem>>
    %dma_start3A_76 = arith.constant 0 : i32
    %dma_start3A_77 = tpu.memref_slice %arg11[%dma_start3A_70, %dma_start3A_76] : memref<3x32xi32, #tpu.memory_space<vmem>> -> memref<1x32xi32, #tpu.memory_space<vmem>>
    %dma_start3A_78 = tpu.memref_squeeze %dma_start3A_77 : memref<1x32xi32, #tpu.memory_space<vmem>> -> memref<32xi32, #tpu.memory_space<vmem>>
    %dma_start3A_79 = arith.constant 0 : i32
    %dma_start3A_80 = tpu.memref_slice %arg3[%dma_start3A_79] : memref<10475xf32, #tpu.memory_space<hbm>> -> memref<10475xf32, #tpu.memory_space<hbm>>
    %dma_start3A_81 = tpu.memref_slice %arg14[%dma_start3A_72] : memref<9x!tpu.dma_semaphore, #tpu.memory_space<semaphore_mem>> -> memref<1x!tpu.dma_semaphore, #tpu.memory_space<semaphore_mem>>
    %dma_start3A_82 = tpu.memref_squeeze %dma_start3A_81 : memref<1x!tpu.dma_semaphore, #tpu.memory_space<semaphore_mem>> -> memref<!tpu.dma_semaphore, #tpu.memory_space<semaphore_mem>>
    tpu.enqueue_indirect_dma source(%dma_start3A_80 : memref<10475xf32, #tpu.memory_space<hbm>>) target(%dma_start3A_75 : memref<32xf32, #tpu.memory_space<vmem>>) offsets(%dma_start3A_78 : memref<32xi32, #tpu.memory_space<vmem>>) semaphore(%dma_start3A_82 : memref<!tpu.dma_semaphore, #tpu.memory_space<semaphore_mem>>)
    %dma_start3A_83 = arith.constant 0 : i32
    %dma_start3A_84 = arith.constant 2 : i32
    %dma_start3A_85 = arith.constant 2 : i32
    %dma_start3A_86 = arith.constant 0 : i32
    %dma_start3A_87 = tpu.memref_slice %arg12[%dma_start3A_84, %dma_start3A_86] : memref<9x32xf32, #tpu.memory_space<vmem>> -> memref<1x32xf32, #tpu.memory_space<vmem>>
    %dma_start3A_88 = tpu.memref_squeeze %dma_start3A_87 : memref<1x32xf32, #tpu.memory_space<vmem>> -> memref<32xf32, #tpu.memory_space<vmem>>
    %dma_start3A_89 = arith.constant 0 : i32
    %dma_start3A_90 = tpu.memref_slice %arg11[%dma_start3A_83, %dma_start3A_89] : memref<3x32xi32, #tpu.memory_space<vmem>> -> memref<1x32xi32, #tpu.memory_space<vmem>>
    %dma_start3A_91 = tpu.memref_squeeze %dma_start3A_90 : memref<1x32xi32, #tpu.memory_space<vmem>> -> memref<32xi32, #tpu.memory_space<vmem>>
    %dma_start3A_92 = arith.constant 0 : i32
    %dma_start3A_93 = tpu.memref_slice %arg4[%dma_start3A_92] : memref<10475xf32, #tpu.memory_space<hbm>> -> memref<10475xf32, #tpu.memory_space<hbm>>
    %dma_start3A_94 = tpu.memref_slice %arg14[%dma_start3A_85] : memref<9x!tpu.dma_semaphore, #tpu.memory_space<semaphore_mem>> -> memref<1x!tpu.dma_semaphore, #tpu.memory_space<semaphore_mem>>
    %dma_start3A_95 = tpu.memref_squeeze %dma_start3A_94 : memref<1x!tpu.dma_semaphore, #tpu.memory_space<semaphore_mem>> -> memref<!tpu.dma_semaphore, #tpu.memory_space<semaphore_mem>>
    tpu.enqueue_indirect_dma source(%dma_start3A_93 : memref<10475xf32, #tpu.memory_space<hbm>>) target(%dma_start3A_88 : memref<32xf32, #tpu.memory_space<vmem>>) offsets(%dma_start3A_91 : memref<32xi32, #tpu.memory_space<vmem>>) semaphore(%dma_start3A_95 : memref<!tpu.dma_semaphore, #tpu.memory_space<semaphore_mem>>)
    %dma_start3A_96 = arith.constant 1 : i32
    %dma_start3A_97 = arith.constant 3 : i32
    %dma_start3A_98 = arith.constant 3 : i32
    %dma_start3A_99 = arith.constant 0 : i32
    %dma_start3A_100 = tpu.memref_slice %arg12[%dma_start3A_97, %dma_start3A_99] : memref<9x32xf32, #tpu.memory_space<vmem>> -> memref<1x32xf32, #tpu.memory_space<vmem>>
    %dma_start3A_101 = tpu.memref_squeeze %dma_start3A_100 : memref<1x32xf32, #tpu.memory_space<vmem>> -> memref<32xf32, #tpu.memory_space<vmem>>
    %dma_start3A_102 = arith.constant 0 : i32
    %dma_start3A_103 = tpu.memref_slice %arg11[%dma_start3A_96, %dma_start3A_102] : memref<3x32xi32, #tpu.memory_space<vmem>> -> memref<1x32xi32, #tpu.memory_space<vmem>>
    %dma_start3A_104 = tpu.memref_squeeze %dma_start3A_103 : memref<1x32xi32, #tpu.memory_space<vmem>> -> memref<32xi32, #tpu.memory_space<vmem>>
    %dma_start3A_105 = arith.constant 0 : i32
    %dma_start3A_106 = tpu.memref_slice %arg2[%dma_start3A_105] : memref<10475xf32, #tpu.memory_space<hbm>> -> memref<10475xf32, #tpu.memory_space<hbm>>
    %dma_start3A_107 = tpu.memref_slice %arg14[%dma_start3A_98] : memref<9x!tpu.dma_semaphore, #tpu.memory_space<semaphore_mem>> -> memref<1x!tpu.dma_semaphore, #tpu.memory_space<semaphore_mem>>
    %dma_start3A_108 = tpu.memref_squeeze %dma_start3A_107 : memref<1x!tpu.dma_semaphore, #tpu.memory_space<semaphore_mem>> -> memref<!tpu.dma_semaphore, #tpu.memory_space<semaphore_mem>>
    tpu.enqueue_indirect_dma source(%dma_start3A_106 : memref<10475xf32, #tpu.memory_space<hbm>>) target(%dma_start3A_101 : memref<32xf32, #tpu.memory_space<vmem>>) offsets(%dma_start3A_104 : memref<32xi32, #tpu.memory_space<vmem>>) semaphore(%dma_start3A_108 : memref<!tpu.dma_semaphore, #tpu.memory_space<semaphore_mem>>)
    %dma_start3A_109 = arith.constant 1 : i32
    %dma_start3A_110 = arith.constant 4 : i32
    %dma_start3A_111 = arith.constant 4 : i32
    %dma_start3A_112 = arith.constant 0 : i32
    %dma_start3A_113 = tpu.memref_slice %arg12[%dma_start3A_110, %dma_start3A_112] : memref<9x32xf32, #tpu.memory_space<vmem>> -> memref<1x32xf32, #tpu.memory_space<vmem>>
    %dma_start3A_114 = tpu.memref_squeeze %dma_start3A_113 : memref<1x32xf32, #tpu.memory_space<vmem>> -> memref<32xf32, #tpu.memory_space<vmem>>
    %dma_start3A_115 = arith.constant 0 : i32
    %dma_start3A_116 = tpu.memref_slice %arg11[%dma_start3A_109, %dma_start3A_115] : memref<3x32xi32, #tpu.memory_space<vmem>> -> memref<1x32xi32, #tpu.memory_space<vmem>>
    %dma_start3A_117 = tpu.memref_squeeze %dma_start3A_116 : memref<1x32xi32, #tpu.memory_space<vmem>> -> memref<32xi32, #tpu.memory_space<vmem>>
    %dma_start3A_118 = arith.constant 0 : i32
    %dma_start3A_119 = tpu.memref_slice %arg3[%dma_start3A_118] : memref<10475xf32, #tpu.memory_space<hbm>> -> memref<10475xf32, #tpu.memory_space<hbm>>
    %dma_start3A_120 = tpu.memref_slice %arg14[%dma_start3A_111] : memref<9x!tpu.dma_semaphore, #tpu.memory_space<semaphore_mem>> -> memref<1x!tpu.dma_semaphore, #tpu.memory_space<semaphore_mem>>
    %dma_start3A_121 = tpu.memref_squeeze %dma_start3A_120 : memref<1x!tpu.dma_semaphore, #tpu.memory_space<semaphore_mem>> -> memref<!tpu.dma_semaphore, #tpu.memory_space<semaphore_mem>>
    tpu.enqueue_indirect_dma source(%dma_start3A_119 : memref<10475xf32, #tpu.memory_space<hbm>>) target(%dma_start3A_114 : memref<32xf32, #tpu.memory_space<vmem>>) offsets(%dma_start3A_117 : memref<32xi32, #tpu.memory_space<vmem>>) semaphore(%dma_start3A_121 : memref<!tpu.dma_semaphore, #tpu.memory_space<semaphore_mem>>)
    %dma_start3A_122 = arith.constant 1 : i32
    %dma_start3A_123 = arith.constant 5 : i32
    %dma_start3A_124 = arith.constant 5 : i32
    %dma_start3A_125 = arith.constant 0 : i32
    %dma_start3A_126 = tpu.memref_slice %arg12[%dma_start3A_123, %dma_start3A_125] : memref<9x32xf32, #tpu.memory_space<vmem>> -> memref<1x32xf32, #tpu.memory_space<vmem>>
    %dma_start3A_127 = tpu.memref_squeeze %dma_start3A_126 : memref<1x32xf32, #tpu.memory_space<vmem>> -> memref<32xf32, #tpu.memory_space<vmem>>
    %dma_start3A_128 = arith.constant 0 : i32
    %dma_start3A_129 = tpu.memref_slice %arg11[%dma_start3A_122, %dma_start3A_128] : memref<3x32xi32, #tpu.memory_space<vmem>> -> memref<1x32xi32, #tpu.memory_space<vmem>>
    %dma_start3A_130 = tpu.memref_squeeze %dma_start3A_129 : memref<1x32xi32, #tpu.memory_space<vmem>> -> memref<32xi32, #tpu.memory_space<vmem>>
    %dma_start3A_131 = arith.constant 0 : i32
    %dma_start3A_132 = tpu.memref_slice %arg4[%dma_start3A_131] : memref<10475xf32, #tpu.memory_space<hbm>> -> memref<10475xf32, #tpu.memory_space<hbm>>
    %dma_start3A_133 = tpu.memref_slice %arg14[%dma_start3A_124] : memref<9x!tpu.dma_semaphore, #tpu.memory_space<semaphore_mem>> -> memref<1x!tpu.dma_semaphore, #tpu.memory_space<semaphore_mem>>
    %dma_start3A_134 = tpu.memref_squeeze %dma_start3A_133 : memref<1x!tpu.dma_semaphore, #tpu.memory_space<semaphore_mem>> -> memref<!tpu.dma_semaphore, #tpu.memory_space<semaphore_mem>>
    tpu.enqueue_indirect_dma source(%dma_start3A_132 : memref<10475xf32, #tpu.memory_space<hbm>>) target(%dma_start3A_127 : memref<32xf32, #tpu.memory_space<vmem>>) offsets(%dma_start3A_130 : memref<32xi32, #tpu.memory_space<vmem>>) semaphore(%dma_start3A_134 : memref<!tpu.dma_semaphore, #tpu.memory_space<semaphore_mem>>)
    %dma_start3A_135 = arith.constant 2 : i32
    %dma_start3A_136 = arith.constant 6 : i32
    %dma_start3A_137 = arith.constant 6 : i32
    %dma_start3A_138 = arith.constant 0 : i32
    %dma_start3A_139 = tpu.memref_slice %arg12[%dma_start3A_136, %dma_start3A_138] : memref<9x32xf32, #tpu.memory_space<vmem>> -> memref<1x32xf32, #tpu.memory_space<vmem>>
    %dma_start3A_140 = tpu.memref_squeeze %dma_start3A_139 : memref<1x32xf32, #tpu.memory_space<vmem>> -> memref<32xf32, #tpu.memory_space<vmem>>
    %dma_start3A_141 = arith.constant 0 : i32
    %dma_start3A_142 = tpu.memref_slice %arg11[%dma_start3A_135, %dma_start3A_141] : memref<3x32xi32, #tpu.memory_space<vmem>> -> memref<1x32xi32, #tpu.memory_space<vmem>>
    %dma_start3A_143 = tpu.memref_squeeze %dma_start3A_142 : memref<1x32xi32, #tpu.memory_space<vmem>> -> memref<32xi32, #tpu.memory_space<vmem>>
    %dma_start3A_144 = arith.constant 0 : i32
    %dma_start3A_145 = tpu.memref_slice %arg2[%dma_start3A_144] : memref<10475xf32, #tpu.memory_space<hbm>> -> memref<10475xf32, #tpu.memory_space<hbm>>
    %dma_start3A_146 = tpu.memref_slice %arg14[%dma_start3A_137] : memref<9x!tpu.dma_semaphore, #tpu.memory_space<semaphore_mem>> -> memref<1x!tpu.dma_semaphore, #tpu.memory_space<semaphore_mem>>
    %dma_start3A_147 = tpu.memref_squeeze %dma_start3A_146 : memref<1x!tpu.dma_semaphore, #tpu.memory_space<semaphore_mem>> -> memref<!tpu.dma_semaphore, #tpu.memory_space<semaphore_mem>>
    tpu.enqueue_indirect_dma source(%dma_start3A_145 : memref<10475xf32, #tpu.memory_space<hbm>>) target(%dma_start3A_140 : memref<32xf32, #tpu.memory_space<vmem>>) offsets(%dma_start3A_143 : memref<32xi32, #tpu.memory_space<vmem>>) semaphore(%dma_start3A_147 : memref<!tpu.dma_semaphore, #tpu.memory_space<semaphore_mem>>)
    %dma_start3A_148 = arith.constant 2 : i32
    %dma_start3A_149 = arith.constant 7 : i32
    %dma_start3A_150 = arith.constant 7 : i32
    %dma_start3A_151 = arith.constant 0 : i32
    %dma_start3A_152 = tpu.memref_slice %arg12[%dma_start3A_149, %dma_start3A_151] : memref<9x32xf32, #tpu.memory_space<vmem>> -> memref<1x32xf32, #tpu.memory_space<vmem>>
    %dma_start3A_153 = tpu.memref_squeeze %dma_start3A_152 : memref<1x32xf32, #tpu.memory_space<vmem>> -> memref<32xf32, #tpu.memory_space<vmem>>
    %dma_start3A_154 = arith.constant 0 : i32
    %dma_start3A_155 = tpu.memref_slice %arg11[%dma_start3A_148, %dma_start3A_154] : memref<3x32xi32, #tpu.memory_space<vmem>> -> memref<1x32xi32, #tpu.memory_space<vmem>>
    %dma_start3A_156 = tpu.memref_squeeze %dma_start3A_155 : memref<1x32xi32, #tpu.memory_space<vmem>> -> memref<32xi32, #tpu.memory_space<vmem>>
    %dma_start3A_157 = arith.constant 0 : i32
    %dma_start3A_158 = tpu.memref_slice %arg3[%dma_start3A_157] : memref<10475xf32, #tpu.memory_space<hbm>> -> memref<10475xf32, #tpu.memory_space<hbm>>
    %dma_start3A_159 = tpu.memref_slice %arg14[%dma_start3A_150] : memref<9x!tpu.dma_semaphore, #tpu.memory_space<semaphore_mem>> -> memref<1x!tpu.dma_semaphore, #tpu.memory_space<semaphore_mem>>
    %dma_start3A_160 = tpu.memref_squeeze %dma_start3A_159 : memref<1x!tpu.dma_semaphore, #tpu.memory_space<semaphore_mem>> -> memref<!tpu.dma_semaphore, #tpu.memory_space<semaphore_mem>>
    tpu.enqueue_indirect_dma source(%dma_start3A_158 : memref<10475xf32, #tpu.memory_space<hbm>>) target(%dma_start3A_153 : memref<32xf32, #tpu.memory_space<vmem>>) offsets(%dma_start3A_156 : memref<32xi32, #tpu.memory_space<vmem>>) semaphore(%dma_start3A_160 : memref<!tpu.dma_semaphore, #tpu.memory_space<semaphore_mem>>)
    %dma_start3A_161 = arith.constant 2 : i32
    %dma_start3A_162 = arith.constant 8 : i32
    %dma_start3A_163 = arith.constant 8 : i32
    %dma_start3A_164 = arith.constant 0 : i32
    %dma_start3A_165 = tpu.memref_slice %arg12[%dma_start3A_162, %dma_start3A_164] : memref<9x32xf32, #tpu.memory_space<vmem>> -> memref<1x32xf32, #tpu.memory_space<vmem>>
    %dma_start3A_166 = tpu.memref_squeeze %dma_start3A_165 : memref<1x32xf32, #tpu.memory_space<vmem>> -> memref<32xf32, #tpu.memory_space<vmem>>
    %dma_start3A_167 = arith.constant 0 : i32
    %dma_start3A_168 = tpu.memref_slice %arg11[%dma_start3A_161, %dma_start3A_167] : memref<3x32xi32, #tpu.memory_space<vmem>> -> memref<1x32xi32, #tpu.memory_space<vmem>>
    %dma_start3A_169 = tpu.memref_squeeze %dma_start3A_168 : memref<1x32xi32, #tpu.memory_space<vmem>> -> memref<32xi32, #tpu.memory_space<vmem>>
    %dma_start3A_170 = arith.constant 0 : i32
    %dma_start3A_171 = tpu.memref_slice %arg4[%dma_start3A_170] : memref<10475xf32, #tpu.memory_space<hbm>> -> memref<10475xf32, #tpu.memory_space<hbm>>
    %dma_start3A_172 = tpu.memref_slice %arg14[%dma_start3A_163] : memref<9x!tpu.dma_semaphore, #tpu.memory_space<semaphore_mem>> -> memref<1x!tpu.dma_semaphore, #tpu.memory_space<semaphore_mem>>
    %dma_start3A_173 = tpu.memref_squeeze %dma_start3A_172 : memref<1x!tpu.dma_semaphore, #tpu.memory_space<semaphore_mem>> -> memref<!tpu.dma_semaphore, #tpu.memory_space<semaphore_mem>>
    tpu.enqueue_indirect_dma source(%dma_start3A_171 : memref<10475xf32, #tpu.memory_space<hbm>>) target(%dma_start3A_166 : memref<32xf32, #tpu.memory_space<vmem>>) offsets(%dma_start3A_169 : memref<32xi32, #tpu.memory_space<vmem>>) semaphore(%dma_start3A_173 : memref<!tpu.dma_semaphore, #tpu.memory_space<semaphore_mem>>)
    %dma_wait3A_174 = arith.constant 0 : i32
    %dma_wait3A_175 = arith.constant 0 : i32
    %dma_wait3A_176 = arith.constant 0 : i32
    %dma_wait3A_177 = arith.constant 0 : i32
    %dma_wait3A_178 = tpu.memref_slice %arg12[%dma_wait3A_175, %dma_wait3A_177] : memref<9x32xf32, #tpu.memory_space<vmem>> -> memref<1x32xf32, #tpu.memory_space<vmem>>
    %dma_wait3A_179 = tpu.memref_squeeze %dma_wait3A_178 : memref<1x32xf32, #tpu.memory_space<vmem>> -> memref<32xf32, #tpu.memory_space<vmem>>
    %dma_wait3A_180 = arith.constant 0 : i32
    %dma_wait3A_181 = tpu.memref_slice %arg11[%dma_wait3A_174, %dma_wait3A_180] : memref<3x32xi32, #tpu.memory_space<vmem>> -> memref<1x32xi32, #tpu.memory_space<vmem>>
    %dma_wait3A_182 = tpu.memref_squeeze %dma_wait3A_181 : memref<1x32xi32, #tpu.memory_space<vmem>> -> memref<32xi32, #tpu.memory_space<vmem>>
    %dma_wait3A_183 = arith.constant 0 : i32
    %dma_wait3A_184 = tpu.memref_slice %arg2[%dma_wait3A_183] : memref<10475xf32, #tpu.memory_space<hbm>> -> memref<10475xf32, #tpu.memory_space<hbm>>
    %dma_wait3A_185 = tpu.memref_slice %arg14[%dma_wait3A_176] : memref<9x!tpu.dma_semaphore, #tpu.memory_space<semaphore_mem>> -> memref<1x!tpu.dma_semaphore, #tpu.memory_space<semaphore_mem>>
    %dma_wait3A_186 = tpu.memref_squeeze %dma_wait3A_185 : memref<1x!tpu.dma_semaphore, #tpu.memory_space<semaphore_mem>> -> memref<!tpu.dma_semaphore, #tpu.memory_space<semaphore_mem>>
    tpu.wait_indirect_dma semaphore(%dma_wait3A_186 : memref<!tpu.dma_semaphore, #tpu.memory_space<semaphore_mem>>) src(%dma_wait3A_184 : memref<10475xf32, #tpu.memory_space<hbm>>) dst(%dma_wait3A_179 : memref<32xf32, #tpu.memory_space<vmem>>)
    %dma_wait3A_187 = arith.constant 0 : i32
    %dma_wait3A_188 = arith.constant 1 : i32
    %dma_wait3A_189 = arith.constant 1 : i32
    %dma_wait3A_190 = arith.constant 0 : i32
    %dma_wait3A_191 = tpu.memref_slice %arg12[%dma_wait3A_188, %dma_wait3A_190] : memref<9x32xf32, #tpu.memory_space<vmem>> -> memref<1x32xf32, #tpu.memory_space<vmem>>
    %dma_wait3A_192 = tpu.memref_squeeze %dma_wait3A_191 : memref<1x32xf32, #tpu.memory_space<vmem>> -> memref<32xf32, #tpu.memory_space<vmem>>
    %dma_wait3A_193 = arith.constant 0 : i32
    %dma_wait3A_194 = tpu.memref_slice %arg11[%dma_wait3A_187, %dma_wait3A_193] : memref<3x32xi32, #tpu.memory_space<vmem>> -> memref<1x32xi32, #tpu.memory_space<vmem>>
    %dma_wait3A_195 = tpu.memref_squeeze %dma_wait3A_194 : memref<1x32xi32, #tpu.memory_space<vmem>> -> memref<32xi32, #tpu.memory_space<vmem>>
    %dma_wait3A_196 = arith.constant 0 : i32
    %dma_wait3A_197 = tpu.memref_slice %arg3[%dma_wait3A_196] : memref<10475xf32, #tpu.memory_space<hbm>> -> memref<10475xf32, #tpu.memory_space<hbm>>
    %dma_wait3A_198 = tpu.memref_slice %arg14[%dma_wait3A_189] : memref<9x!tpu.dma_semaphore, #tpu.memory_space<semaphore_mem>> -> memref<1x!tpu.dma_semaphore, #tpu.memory_space<semaphore_mem>>
    %dma_wait3A_199 = tpu.memref_squeeze %dma_wait3A_198 : memref<1x!tpu.dma_semaphore, #tpu.memory_space<semaphore_mem>> -> memref<!tpu.dma_semaphore, #tpu.memory_space<semaphore_mem>>
    tpu.wait_indirect_dma semaphore(%dma_wait3A_199 : memref<!tpu.dma_semaphore, #tpu.memory_space<semaphore_mem>>) src(%dma_wait3A_197 : memref<10475xf32, #tpu.memory_space<hbm>>) dst(%dma_wait3A_192 : memref<32xf32, #tpu.memory_space<vmem>>)
    %dma_wait3A_200 = arith.constant 0 : i32
    %dma_wait3A_201 = arith.constant 2 : i32
    %dma_wait3A_202 = arith.constant 2 : i32
    %dma_wait3A_203 = arith.constant 0 : i32
    %dma_wait3A_204 = tpu.memref_slice %arg12[%dma_wait3A_201, %dma_wait3A_203] : memref<9x32xf32, #tpu.memory_space<vmem>> -> memref<1x32xf32, #tpu.memory_space<vmem>>
    %dma_wait3A_205 = tpu.memref_squeeze %dma_wait3A_204 : memref<1x32xf32, #tpu.memory_space<vmem>> -> memref<32xf32, #tpu.memory_space<vmem>>
    %dma_wait3A_206 = arith.constant 0 : i32
    %dma_wait3A_207 = tpu.memref_slice %arg11[%dma_wait3A_200, %dma_wait3A_206] : memref<3x32xi32, #tpu.memory_space<vmem>> -> memref<1x32xi32, #tpu.memory_space<vmem>>
    %dma_wait3A_208 = tpu.memref_squeeze %dma_wait3A_207 : memref<1x32xi32, #tpu.memory_space<vmem>> -> memref<32xi32, #tpu.memory_space<vmem>>
    %dma_wait3A_209 = arith.constant 0 : i32
    %dma_wait3A_210 = tpu.memref_slice %arg4[%dma_wait3A_209] : memref<10475xf32, #tpu.memory_space<hbm>> -> memref<10475xf32, #tpu.memory_space<hbm>>
    %dma_wait3A_211 = tpu.memref_slice %arg14[%dma_wait3A_202] : memref<9x!tpu.dma_semaphore, #tpu.memory_space<semaphore_mem>> -> memref<1x!tpu.dma_semaphore, #tpu.memory_space<semaphore_mem>>
    %dma_wait3A_212 = tpu.memref_squeeze %dma_wait3A_211 : memref<1x!tpu.dma_semaphore, #tpu.memory_space<semaphore_mem>> -> memref<!tpu.dma_semaphore, #tpu.memory_space<semaphore_mem>>
    tpu.wait_indirect_dma semaphore(%dma_wait3A_212 : memref<!tpu.dma_semaphore, #tpu.memory_space<semaphore_mem>>) src(%dma_wait3A_210 : memref<10475xf32, #tpu.memory_space<hbm>>) dst(%dma_wait3A_205 : memref<32xf32, #tpu.memory_space<vmem>>)
    %dma_wait3A_213 = arith.constant 1 : i32
    %dma_wait3A_214 = arith.constant 3 : i32
    %dma_wait3A_215 = arith.constant 3 : i32
    %dma_wait3A_216 = arith.constant 0 : i32
    %dma_wait3A_217 = tpu.memref_slice %arg12[%dma_wait3A_214, %dma_wait3A_216] : memref<9x32xf32, #tpu.memory_space<vmem>> -> memref<1x32xf32, #tpu.memory_space<vmem>>
    %dma_wait3A_218 = tpu.memref_squeeze %dma_wait3A_217 : memref<1x32xf32, #tpu.memory_space<vmem>> -> memref<32xf32, #tpu.memory_space<vmem>>
    %dma_wait3A_219 = arith.constant 0 : i32
    %dma_wait3A_220 = tpu.memref_slice %arg11[%dma_wait3A_213, %dma_wait3A_219] : memref<3x32xi32, #tpu.memory_space<vmem>> -> memref<1x32xi32, #tpu.memory_space<vmem>>
    %dma_wait3A_221 = tpu.memref_squeeze %dma_wait3A_220 : memref<1x32xi32, #tpu.memory_space<vmem>> -> memref<32xi32, #tpu.memory_space<vmem>>
    %dma_wait3A_222 = arith.constant 0 : i32
    %dma_wait3A_223 = tpu.memref_slice %arg2[%dma_wait3A_222] : memref<10475xf32, #tpu.memory_space<hbm>> -> memref<10475xf32, #tpu.memory_space<hbm>>
    %dma_wait3A_224 = tpu.memref_slice %arg14[%dma_wait3A_215] : memref<9x!tpu.dma_semaphore, #tpu.memory_space<semaphore_mem>> -> memref<1x!tpu.dma_semaphore, #tpu.memory_space<semaphore_mem>>
    %dma_wait3A_225 = tpu.memref_squeeze %dma_wait3A_224 : memref<1x!tpu.dma_semaphore, #tpu.memory_space<semaphore_mem>> -> memref<!tpu.dma_semaphore, #tpu.memory_space<semaphore_mem>>
    tpu.wait_indirect_dma semaphore(%dma_wait3A_225 : memref<!tpu.dma_semaphore, #tpu.memory_space<semaphore_mem>>) src(%dma_wait3A_223 : memref<10475xf32, #tpu.memory_space<hbm>>) dst(%dma_wait3A_218 : memref<32xf32, #tpu.memory_space<vmem>>)
    %dma_wait3A_226 = arith.constant 1 : i32
    %dma_wait3A_227 = arith.constant 4 : i32
    %dma_wait3A_228 = arith.constant 4 : i32
    %dma_wait3A_229 = arith.constant 0 : i32
    %dma_wait3A_230 = tpu.memref_slice %arg12[%dma_wait3A_227, %dma_wait3A_229] : memref<9x32xf32, #tpu.memory_space<vmem>> -> memref<1x32xf32, #tpu.memory_space<vmem>>
    %dma_wait3A_231 = tpu.memref_squeeze %dma_wait3A_230 : memref<1x32xf32, #tpu.memory_space<vmem>> -> memref<32xf32, #tpu.memory_space<vmem>>
    %dma_wait3A_232 = arith.constant 0 : i32
    %dma_wait3A_233 = tpu.memref_slice %arg11[%dma_wait3A_226, %dma_wait3A_232] : memref<3x32xi32, #tpu.memory_space<vmem>> -> memref<1x32xi32, #tpu.memory_space<vmem>>
    %dma_wait3A_234 = tpu.memref_squeeze %dma_wait3A_233 : memref<1x32xi32, #tpu.memory_space<vmem>> -> memref<32xi32, #tpu.memory_space<vmem>>
    %dma_wait3A_235 = arith.constant 0 : i32
    %dma_wait3A_236 = tpu.memref_slice %arg3[%dma_wait3A_235] : memref<10475xf32, #tpu.memory_space<hbm>> -> memref<10475xf32, #tpu.memory_space<hbm>>
    %dma_wait3A_237 = tpu.memref_slice %arg14[%dma_wait3A_228] : memref<9x!tpu.dma_semaphore, #tpu.memory_space<semaphore_mem>> -> memref<1x!tpu.dma_semaphore, #tpu.memory_space<semaphore_mem>>
    %dma_wait3A_238 = tpu.memref_squeeze %dma_wait3A_237 : memref<1x!tpu.dma_semaphore, #tpu.memory_space<semaphore_mem>> -> memref<!tpu.dma_semaphore, #tpu.memory_space<semaphore_mem>>
    tpu.wait_indirect_dma semaphore(%dma_wait3A_238 : memref<!tpu.dma_semaphore, #tpu.memory_space<semaphore_mem>>) src(%dma_wait3A_236 : memref<10475xf32, #tpu.memory_space<hbm>>) dst(%dma_wait3A_231 : memref<32xf32, #tpu.memory_space<vmem>>)
    %dma_wait3A_239 = arith.constant 1 : i32
    %dma_wait3A_240 = arith.constant 5 : i32
    %dma_wait3A_241 = arith.constant 5 : i32
    %dma_wait3A_242 = arith.constant 0 : i32
    %dma_wait3A_243 = tpu.memref_slice %arg12[%dma_wait3A_240, %dma_wait3A_242] : memref<9x32xf32, #tpu.memory_space<vmem>> -> memref<1x32xf32, #tpu.memory_space<vmem>>
    %dma_wait3A_244 = tpu.memref_squeeze %dma_wait3A_243 : memref<1x32xf32, #tpu.memory_space<vmem>> -> memref<32xf32, #tpu.memory_space<vmem>>
    %dma_wait3A_245 = arith.constant 0 : i32
    %dma_wait3A_246 = tpu.memref_slice %arg11[%dma_wait3A_239, %dma_wait3A_245] : memref<3x32xi32, #tpu.memory_space<vmem>> -> memref<1x32xi32, #tpu.memory_space<vmem>>
    %dma_wait3A_247 = tpu.memref_squeeze %dma_wait3A_246 : memref<1x32xi32, #tpu.memory_space<vmem>> -> memref<32xi32, #tpu.memory_space<vmem>>
    %dma_wait3A_248 = arith.constant 0 : i32
    %dma_wait3A_249 = tpu.memref_slice %arg4[%dma_wait3A_248] : memref<10475xf32, #tpu.memory_space<hbm>> -> memref<10475xf32, #tpu.memory_space<hbm>>
    %dma_wait3A_250 = tpu.memref_slice %arg14[%dma_wait3A_241] : memref<9x!tpu.dma_semaphore, #tpu.memory_space<semaphore_mem>> -> memref<1x!tpu.dma_semaphore, #tpu.memory_space<semaphore_mem>>
    %dma_wait3A_251 = tpu.memref_squeeze %dma_wait3A_250 : memref<1x!tpu.dma_semaphore, #tpu.memory_space<semaphore_mem>> -> memref<!tpu.dma_semaphore, #tpu.memory_space<semaphore_mem>>
    tpu.wait_indirect_dma semaphore(%dma_wait3A_251 : memref<!tpu.dma_semaphore, #tpu.memory_space<semaphore_mem>>) src(%dma_wait3A_249 : memref<10475xf32, #tpu.memory_space<hbm>>) dst(%dma_wait3A_244 : memref<32xf32, #tpu.memory_space<vmem>>)
    %dma_wait3A_252 = arith.constant 2 : i32
    %dma_wait3A_253 = arith.constant 6 : i32
    %dma_wait3A_254 = arith.constant 6 : i32
    %dma_wait3A_255 = arith.constant 0 : i32
    %dma_wait3A_256 = tpu.memref_slice %arg12[%dma_wait3A_253, %dma_wait3A_255] : memref<9x32xf32, #tpu.memory_space<vmem>> -> memref<1x32xf32, #tpu.memory_space<vmem>>
    %dma_wait3A_257 = tpu.memref_squeeze %dma_wait3A_256 : memref<1x32xf32, #tpu.memory_space<vmem>> -> memref<32xf32, #tpu.memory_space<vmem>>
    %dma_wait3A_258 = arith.constant 0 : i32
    %dma_wait3A_259 = tpu.memref_slice %arg11[%dma_wait3A_252, %dma_wait3A_258] : memref<3x32xi32, #tpu.memory_space<vmem>> -> memref<1x32xi32, #tpu.memory_space<vmem>>
    %dma_wait3A_260 = tpu.memref_squeeze %dma_wait3A_259 : memref<1x32xi32, #tpu.memory_space<vmem>> -> memref<32xi32, #tpu.memory_space<vmem>>
    %dma_wait3A_261 = arith.constant 0 : i32
    %dma_wait3A_262 = tpu.memref_slice %arg2[%dma_wait3A_261] : memref<10475xf32, #tpu.memory_space<hbm>> -> memref<10475xf32, #tpu.memory_space<hbm>>
    %dma_wait3A_263 = tpu.memref_slice %arg14[%dma_wait3A_254] : memref<9x!tpu.dma_semaphore, #tpu.memory_space<semaphore_mem>> -> memref<1x!tpu.dma_semaphore, #tpu.memory_space<semaphore_mem>>
    %dma_wait3A_264 = tpu.memref_squeeze %dma_wait3A_263 : memref<1x!tpu.dma_semaphore, #tpu.memory_space<semaphore_mem>> -> memref<!tpu.dma_semaphore, #tpu.memory_space<semaphore_mem>>
    tpu.wait_indirect_dma semaphore(%dma_wait3A_264 : memref<!tpu.dma_semaphore, #tpu.memory_space<semaphore_mem>>) src(%dma_wait3A_262 : memref<10475xf32, #tpu.memory_space<hbm>>) dst(%dma_wait3A_257 : memref<32xf32, #tpu.memory_space<vmem>>)
    %dma_wait3A_265 = arith.constant 2 : i32
    %dma_wait3A_266 = arith.constant 7 : i32
    %dma_wait3A_267 = arith.constant 7 : i32
    %dma_wait3A_268 = arith.constant 0 : i32
    %dma_wait3A_269 = tpu.memref_slice %arg12[%dma_wait3A_266, %dma_wait3A_268] : memref<9x32xf32, #tpu.memory_space<vmem>> -> memref<1x32xf32, #tpu.memory_space<vmem>>
    %dma_wait3A_270 = tpu.memref_squeeze %dma_wait3A_269 : memref<1x32xf32, #tpu.memory_space<vmem>> -> memref<32xf32, #tpu.memory_space<vmem>>
    %dma_wait3A_271 = arith.constant 0 : i32
    %dma_wait3A_272 = tpu.memref_slice %arg11[%dma_wait3A_265, %dma_wait3A_271] : memref<3x32xi32, #tpu.memory_space<vmem>> -> memref<1x32xi32, #tpu.memory_space<vmem>>
    %dma_wait3A_273 = tpu.memref_squeeze %dma_wait3A_272 : memref<1x32xi32, #tpu.memory_space<vmem>> -> memref<32xi32, #tpu.memory_space<vmem>>
    %dma_wait3A_274 = arith.constant 0 : i32
    %dma_wait3A_275 = tpu.memref_slice %arg3[%dma_wait3A_274] : memref<10475xf32, #tpu.memory_space<hbm>> -> memref<10475xf32, #tpu.memory_space<hbm>>
    %dma_wait3A_276 = tpu.memref_slice %arg14[%dma_wait3A_267] : memref<9x!tpu.dma_semaphore, #tpu.memory_space<semaphore_mem>> -> memref<1x!tpu.dma_semaphore, #tpu.memory_space<semaphore_mem>>
    %dma_wait3A_277 = tpu.memref_squeeze %dma_wait3A_276 : memref<1x!tpu.dma_semaphore, #tpu.memory_space<semaphore_mem>> -> memref<!tpu.dma_semaphore, #tpu.memory_space<semaphore_mem>>
    tpu.wait_indirect_dma semaphore(%dma_wait3A_277 : memref<!tpu.dma_semaphore, #tpu.memory_space<semaphore_mem>>) src(%dma_wait3A_275 : memref<10475xf32, #tpu.memory_space<hbm>>) dst(%dma_wait3A_270 : memref<32xf32, #tpu.memory_space<vmem>>)
    %dma_wait3A_278 = arith.constant 2 : i32
    %dma_wait3A_279 = arith.constant 8 : i32
    %dma_wait3A_280 = arith.constant 8 : i32
    %dma_wait3A_281 = arith.constant 0 : i32
    %dma_wait3A_282 = tpu.memref_slice %arg12[%dma_wait3A_279, %dma_wait3A_281] : memref<9x32xf32, #tpu.memory_space<vmem>> -> memref<1x32xf32, #tpu.memory_space<vmem>>
    %dma_wait3A_283 = tpu.memref_squeeze %dma_wait3A_282 : memref<1x32xf32, #tpu.memory_space<vmem>> -> memref<32xf32, #tpu.memory_space<vmem>>
    %dma_wait3A_284 = arith.constant 0 : i32
    %dma_wait3A_285 = tpu.memref_slice %arg11[%dma_wait3A_278, %dma_wait3A_284] : memref<3x32xi32, #tpu.memory_space<vmem>> -> memref<1x32xi32, #tpu.memory_space<vmem>>
    %dma_wait3A_286 = tpu.memref_squeeze %dma_wait3A_285 : memref<1x32xi32, #tpu.memory_space<vmem>> -> memref<32xi32, #tpu.memory_space<vmem>>
    %dma_wait3A_287 = arith.constant 0 : i32
    %dma_wait3A_288 = tpu.memref_slice %arg4[%dma_wait3A_287] : memref<10475xf32, #tpu.memory_space<hbm>> -> memref<10475xf32, #tpu.memory_space<hbm>>
    %dma_wait3A_289 = tpu.memref_slice %arg14[%dma_wait3A_280] : memref<9x!tpu.dma_semaphore, #tpu.memory_space<semaphore_mem>> -> memref<1x!tpu.dma_semaphore, #tpu.memory_space<semaphore_mem>>
    %dma_wait3A_290 = tpu.memref_squeeze %dma_wait3A_289 : memref<1x!tpu.dma_semaphore, #tpu.memory_space<semaphore_mem>> -> memref<!tpu.dma_semaphore, #tpu.memory_space<semaphore_mem>>
    tpu.wait_indirect_dma semaphore(%dma_wait3A_290 : memref<!tpu.dma_semaphore, #tpu.memory_space<semaphore_mem>>) src(%dma_wait3A_288 : memref<10475xf32, #tpu.memory_space<hbm>>) dst(%dma_wait3A_283 : memref<32xf32, #tpu.memory_space<vmem>>)
    %get3A = arith.constant 0 : i32
    %get3A_291 = arith.index_cast %get3A : i32 to index
    %get3A_292 = arith.constant 0 : index
    %get3A_293 = tpu.vector_load %arg12[%get3A_291, %get3A_292] {strides = array<i32>} : memref<9x32xf32, #tpu.memory_space<vmem>>, vector<1x16xf32>,
    %get3A_294 = vector.shape_cast %get3A_293 : vector<1x16xf32> to vector<16xf32>
    %get3A_295 = arith.constant 1 : i32
    %get3A_296 = arith.index_cast %get3A_295 : i32 to index
    %get3A_297 = arith.constant 0 : index
    %get3A_298 = tpu.vector_load %arg12[%get3A_296, %get3A_297] {strides = array<i32>} : memref<9x32xf32, #tpu.memory_space<vmem>>, vector<1x16xf32>,
    %get3A_299 = vector.shape_cast %get3A_298 : vector<1x16xf32> to vector<16xf32>
    %get3A_300 = arith.constant 2 : i32
    %get3A_301 = arith.index_cast %get3A_300 : i32 to index
    %get3A_302 = arith.constant 0 : index
    %get3A_303 = tpu.vector_load %arg12[%get3A_301, %get3A_302] {strides = array<i32>} : memref<9x32xf32, #tpu.memory_space<vmem>>, vector<1x16xf32>,
    %get3A_304 = vector.shape_cast %get3A_303 : vector<1x16xf32> to vector<16xf32>
    %get3A_305 = arith.constant 3 : i32
    %get3A_306 = arith.index_cast %get3A_305 : i32 to index
    %get3A_307 = arith.constant 0 : index
    %get3A_308 = tpu.vector_load %arg12[%get3A_306, %get3A_307] {strides = array<i32>} : memref<9x32xf32, #tpu.memory_space<vmem>>, vector<1x16xf32>,
    %get3A_309 = vector.shape_cast %get3A_308 : vector<1x16xf32> to vector<16xf32>
    %sub3A = arith.subf %get3A_309, %get3A_294 : vector<16xf32>
    %get3A_310 = arith.constant 4 : i32
    %get3A_311 = arith.index_cast %get3A_310 : i32 to index
    %get3A_312 = arith.constant 0 : index
    %get3A_313 = tpu.vector_load %arg12[%get3A_311, %get3A_312] {strides = array<i32>} : memref<9x32xf32, #tpu.memory_space<vmem>>, vector<1x16xf32>,
    %get3A_314 = vector.shape_cast %get3A_313 : vector<1x16xf32> to vector<16xf32>
    %sub3A_315 = arith.subf %get3A_314, %get3A_299 : vector<16xf32>
    %get3A_316 = arith.constant 5 : i32
    %get3A_317 = arith.index_cast %get3A_316 : i32 to index
    %get3A_318 = arith.constant 0 : index
    %get3A_319 = tpu.vector_load %arg12[%get3A_317, %get3A_318] {strides = array<i32>} : memref<9x32xf32, #tpu.memory_space<vmem>>, vector<1x16xf32>,
    %get3A_320 = vector.shape_cast %get3A_319 : vector<1x16xf32> to vector<16xf32>
    %sub3A_321 = arith.subf %get3A_320, %get3A_304 : vector<16xf32>
    %get3A_322 = arith.constant 6 : i32
    %get3A_323 = arith.index_cast %get3A_322 : i32 to index
    %get3A_324 = arith.constant 0 : index
    %get3A_325 = tpu.vector_load %arg12[%get3A_323, %get3A_324] {strides = array<i32>} : memref<9x32xf32, #tpu.memory_space<vmem>>, vector<1x16xf32>,
    %get3A_326 = vector.shape_cast %get3A_325 : vector<1x16xf32> to vector<16xf32>
    %sub3A_327 = arith.subf %get3A_326, %get3A_294 : vector<16xf32>
    %get3A_328 = arith.constant 7 : i32
    %get3A_329 = arith.index_cast %get3A_328 : i32 to index
    %get3A_330 = arith.constant 0 : index
    %get3A_331 = tpu.vector_load %arg12[%get3A_329, %get3A_330] {strides = array<i32>} : memref<9x32xf32, #tpu.memory_space<vmem>>, vector<1x16xf32>,
    %get3A_332 = vector.shape_cast %get3A_331 : vector<1x16xf32> to vector<16xf32>
    %sub3A_333 = arith.subf %get3A_332, %get3A_299 : vector<16xf32>
    %get3A_334 = arith.constant 8 : i32
    %get3A_335 = arith.index_cast %get3A_334 : i32 to index
    %get3A_336 = arith.constant 0 : index
    %get3A_337 = tpu.vector_load %arg12[%get3A_335, %get3A_336] {strides = array<i32>} : memref<9x32xf32, #tpu.memory_space<vmem>>, vector<1x16xf32>,
    %get3A_338 = vector.shape_cast %get3A_337 : vector<1x16xf32> to vector<16xf32>
    %sub3A_339 = arith.subf %get3A_338, %get3A_304 : vector<16xf32>
    %mul3A_340 = arith.mulf %sub3A_315, %sub3A_339 : vector<16xf32>
    %mul3A_341 = arith.mulf %sub3A_321, %sub3A_333 : vector<16xf32>
    %sub3A_342 = arith.subf %mul3A_340, %mul3A_341 : vector<16xf32>
    %mul3A_343 = arith.mulf %sub3A_321, %sub3A_327 : vector<16xf32>
    %mul3A_344 = arith.mulf %sub3A, %sub3A_339 : vector<16xf32>
    %sub3A_345 = arith.subf %mul3A_343, %mul3A_344 : vector<16xf32>
    %mul3A_346 = arith.mulf %sub3A, %sub3A_333 : vector<16xf32>
    %mul3A_347 = arith.mulf %sub3A_315, %sub3A_327 : vector<16xf32>
    %sub3A_348 = arith.subf %mul3A_346, %mul3A_347 : vector<16xf32>
    %mul3A_349 = arith.mulf %sub3A_342, %sub3A_342 : vector<16xf32>
    %mul3A_350 = arith.mulf %sub3A_345, %sub3A_345 : vector<16xf32>
    %add3A_351 = arith.addf %mul3A_349, %mul3A_350 : vector<16xf32>
    %mul3A_352 = arith.mulf %sub3A_348, %sub3A_348 : vector<16xf32>
    %add3A_353 = arith.addf %add3A_351, %mul3A_352 : vector<16xf32>
    %bitcast_convert_type3A = tpu.bitcast %add3A_353 : vector<16xf32> -> vector<16xi32>
    %shift_right_logical3A = arith.constant 1 : i32
    %shift_right_logical3A_354 = vector.broadcast %shift_right_logical3A : i32 to vector<16xi32>
    %shift_right_logical3A_355 = arith.shrui %bitcast_convert_type3A, %shift_right_logical3A_354 : vector<16xi32>
    %sub3A_356 = arith.constant 1597463007 : i32
    %sub3A_357 = vector.broadcast %sub3A_356 : i32 to vector<16xi32>
    %sub3A_358 = arith.subi %sub3A_357, %shift_right_logical3A_355 : vector<16xi32>
    %bitcast_convert_type3A_359 = tpu.bitcast %sub3A_358 : vector<16xi32> -> vector<16xf32>
    %mul3A_360 = arith.constant 5.000000e-01 : f32
    %mul3A_361 = vector.broadcast %mul3A_360 : f32 to vector<16xf32>
    %mul3A_362 = arith.mulf %add3A_353, %mul3A_361 : vector<16xf32>
    %mul3A_363 = arith.mulf %mul3A_362, %bitcast_convert_type3A_359 : vector<16xf32>
    %mul3A_364 = arith.mulf %mul3A_363, %bitcast_convert_type3A_359 : vector<16xf32>
    %sub3A_365 = arith.constant 1.500000e+00 : f32
    %sub3A_366 = vector.broadcast %sub3A_365 : f32 to vector<16xf32>
    %sub3A_367 = arith.subf %sub3A_366, %mul3A_364 : vector<16xf32>
    %mul3A_368 = arith.mulf %bitcast_convert_type3A_359, %sub3A_367 : vector<16xf32>
    %mul3A_369 = arith.mulf %mul3A_362, %mul3A_368 : vector<16xf32>
    %mul3A_370 = arith.mulf %mul3A_369, %mul3A_368 : vector<16xf32>
    %sub3A_371 = arith.constant 1.500000e+00 : f32
    %sub3A_372 = vector.broadcast %sub3A_371 : f32 to vector<16xf32>
    %sub3A_373 = arith.subf %sub3A_372, %mul3A_370 : vector<16xf32>
    %mul3A_374 = arith.mulf %mul3A_368, %sub3A_373 : vector<16xf32>
    %mul3A_375 = arith.mulf %mul3A_362, %mul3A_374 : vector<16xf32>
    %mul3A_376 = arith.mulf %mul3A_375, %mul3A_374 : vector<16xf32>
    %sub3A_377 = arith.constant 1.500000e+00 : f32
    %sub3A_378 = vector.broadcast %sub3A_377 : f32 to vector<16xf32>
    %sub3A_379 = arith.subf %sub3A_378, %mul3A_376 : vector<16xf32>
    %mul3A_380 = arith.mulf %mul3A_374, %sub3A_379 : vector<16xf32>
    %mul3A_381 = arith.mulf %add3A_353, %mul3A_380 : vector<16xf32>
    %get3A_382 = arith.constant 0 : i32
    %get3A_383 = arith.index_cast %get3A_382 : i32 to index
    %get3A_384 = arith.constant 16 : index
    %get3A_385 = tpu.vector_load %arg12[%get3A_383, %get3A_384] {strides = array<i32>} : memref<9x32xf32, #tpu.memory_space<vmem>>, vector<1x16xf32>,
    %get3A_386 = vector.shape_cast %get3A_385 : vector<1x16xf32> to vector<16xf32>
    %get3A_387 = arith.constant 1 : i32
    %get3A_388 = arith.index_cast %get3A_387 : i32 to index
    %get3A_389 = arith.constant 16 : index
    %get3A_390 = tpu.vector_load %arg12[%get3A_388, %get3A_389] {strides = array<i32>} : memref<9x32xf32, #tpu.memory_space<vmem>>, vector<1x16xf32>,
    %get3A_391 = vector.shape_cast %get3A_390 : vector<1x16xf32> to vector<16xf32>
    %get3A_392 = arith.constant 2 : i32
    %get3A_393 = arith.index_cast %get3A_392 : i32 to index
    %get3A_394 = arith.constant 16 : index
    %get3A_395 = tpu.vector_load %arg12[%get3A_393, %get3A_394] {strides = array<i32>} : memref<9x32xf32, #tpu.memory_space<vmem>>, vector<1x16xf32>,
    %get3A_396 = vector.shape_cast %get3A_395 : vector<1x16xf32> to vector<16xf32>
    %get3A_397 = arith.constant 3 : i32
    %get3A_398 = arith.index_cast %get3A_397 : i32 to index
    %get3A_399 = arith.constant 16 : index
    %get3A_400 = tpu.vector_load %arg12[%get3A_398, %get3A_399] {strides = array<i32>} : memref<9x32xf32, #tpu.memory_space<vmem>>, vector<1x16xf32>,
    %get3A_401 = vector.shape_cast %get3A_400 : vector<1x16xf32> to vector<16xf32>
    %sub3A_402 = arith.subf %get3A_401, %get3A_386 : vector<16xf32>
    %get3A_403 = arith.constant 4 : i32
    %get3A_404 = arith.index_cast %get3A_403 : i32 to index
    %get3A_405 = arith.constant 16 : index
    %get3A_406 = tpu.vector_load %arg12[%get3A_404, %get3A_405] {strides = array<i32>} : memref<9x32xf32, #tpu.memory_space<vmem>>, vector<1x16xf32>,
    %get3A_407 = vector.shape_cast %get3A_406 : vector<1x16xf32> to vector<16xf32>
    %sub3A_408 = arith.subf %get3A_407, %get3A_391 : vector<16xf32>
    %get3A_409 = arith.constant 5 : i32
    %get3A_410 = arith.index_cast %get3A_409 : i32 to index
    %get3A_411 = arith.constant 16 : index
    %get3A_412 = tpu.vector_load %arg12[%get3A_410, %get3A_411] {strides = array<i32>} : memref<9x32xf32, #tpu.memory_space<vmem>>, vector<1x16xf32>,
    %get3A_413 = vector.shape_cast %get3A_412 : vector<1x16xf32> to vector<16xf32>
    %sub3A_414 = arith.subf %get3A_413, %get3A_396 : vector<16xf32>
    %get3A_415 = arith.constant 6 : i32
    %get3A_416 = arith.index_cast %get3A_415 : i32 to index
    %get3A_417 = arith.constant 16 : index
    %get3A_418 = tpu.vector_load %arg12[%get3A_416, %get3A_417] {strides = array<i32>} : memref<9x32xf32, #tpu.memory_space<vmem>>, vector<1x16xf32>,
    %get3A_419 = vector.shape_cast %get3A_418 : vector<1x16xf32> to vector<16xf32>
    %sub3A_420 = arith.subf %get3A_419, %get3A_386 : vector<16xf32>
    %get3A_421 = arith.constant 7 : i32
    %get3A_422 = arith.index_cast %get3A_421 : i32 to index
    %get3A_423 = arith.constant 16 : index
    %get3A_424 = tpu.vector_load %arg12[%get3A_422, %get3A_423] {strides = array<i32>} : memref<9x32xf32, #tpu.memory_space<vmem>>, vector<1x16xf32>,
    %get3A_425 = vector.shape_cast %get3A_424 : vector<1x16xf32> to vector<16xf32>
    %sub3A_426 = arith.subf %get3A_425, %get3A_391 : vector<16xf32>
    %get3A_427 = arith.constant 8 : i32
    %get3A_428 = arith.index_cast %get3A_427 : i32 to index
    %get3A_429 = arith.constant 16 : index
    %get3A_430 = tpu.vector_load %arg12[%get3A_428, %get3A_429] {strides = array<i32>} : memref<9x32xf32, #tpu.memory_space<vmem>>, vector<1x16xf32>,
    %get3A_431 = vector.shape_cast %get3A_430 : vector<1x16xf32> to vector<16xf32>
    %sub3A_432 = arith.subf %get3A_431, %get3A_396 : vector<16xf32>
    %mul3A_433 = arith.mulf %sub3A_408, %sub3A_432 : vector<16xf32>
    %mul3A_434 = arith.mulf %sub3A_414, %sub3A_426 : vector<16xf32>
    %sub3A_435 = arith.subf %mul3A_433, %mul3A_434 : vector<16xf32>
    %mul3A_436 = arith.mulf %sub3A_414, %sub3A_420 : vector<16xf32>
    %mul3A_437 = arith.mulf %sub3A_402, %sub3A_432 : vector<16xf32>
    %sub3A_438 = arith.subf %mul3A_436, %mul3A_437 : vector<16xf32>
    %mul3A_439 = arith.mulf %sub3A_402, %sub3A_426 : vector<16xf32>
    %mul3A_440 = arith.mulf %sub3A_408, %sub3A_420 : vector<16xf32>
    %sub3A_441 = arith.subf %mul3A_439, %mul3A_440 : vector<16xf32>
    %mul3A_442 = arith.mulf %sub3A_435, %sub3A_435 : vector<16xf32>
    %mul3A_443 = arith.mulf %sub3A_438, %sub3A_438 : vector<16xf32>
    %add3A_444 = arith.addf %mul3A_442, %mul3A_443 : vector<16xf32>
    %mul3A_445 = arith.mulf %sub3A_441, %sub3A_441 : vector<16xf32>
    %add3A_446 = arith.addf %add3A_444, %mul3A_445 : vector<16xf32>
    %bitcast_convert_type3A_447 = tpu.bitcast %add3A_446 : vector<16xf32> -> vector<16xi32>
    %shift_right_logical3A_448 = arith.constant 1 : i32
    %shift_right_logical3A_449 = vector.broadcast %shift_right_logical3A_448 : i32 to vector<16xi32>
    %shift_right_logical3A_450 = arith.shrui %bitcast_convert_type3A_447, %shift_right_logical3A_449 : vector<16xi32>
    %sub3A_451 = arith.constant 1597463007 : i32
    %sub3A_452 = vector.broadcast %sub3A_451 : i32 to vector<16xi32>
    %sub3A_453 = arith.subi %sub3A_452, %shift_right_logical3A_450 : vector<16xi32>
    %bitcast_convert_type3A_454 = tpu.bitcast %sub3A_453 : vector<16xi32> -> vector<16xf32>
    %mul3A_455 = arith.constant 5.000000e-01 : f32
    %mul3A_456 = vector.broadcast %mul3A_455 : f32 to vector<16xf32>
    %mul3A_457 = arith.mulf %add3A_446, %mul3A_456 : vector<16xf32>
    %mul3A_458 = arith.mulf %mul3A_457, %bitcast_convert_type3A_454 : vector<16xf32>
    %mul3A_459 = arith.mulf %mul3A_458, %bitcast_convert_type3A_454 : vector<16xf32>
    %sub3A_460 = arith.constant 1.500000e+00 : f32
    %sub3A_461 = vector.broadcast %sub3A_460 : f32 to vector<16xf32>
    %sub3A_462 = arith.subf %sub3A_461, %mul3A_459 : vector<16xf32>
    %mul3A_463 = arith.mulf %bitcast_convert_type3A_454, %sub3A_462 : vector<16xf32>
    %mul3A_464 = arith.mulf %mul3A_457, %mul3A_463 : vector<16xf32>
    %mul3A_465 = arith.mulf %mul3A_464, %mul3A_463 : vector<16xf32>
    %sub3A_466 = arith.constant 1.500000e+00 : f32
    %sub3A_467 = vector.broadcast %sub3A_466 : f32 to vector<16xf32>
    %sub3A_468 = arith.subf %sub3A_467, %mul3A_465 : vector<16xf32>
    %mul3A_469 = arith.mulf %mul3A_463, %sub3A_468 : vector<16xf32>
    %mul3A_470 = arith.mulf %mul3A_457, %mul3A_469 : vector<16xf32>
    %mul3A_471 = arith.mulf %mul3A_470, %mul3A_469 : vector<16xf32>
    %sub3A_472 = arith.constant 1.500000e+00 : f32
    %sub3A_473 = vector.broadcast %sub3A_472 : f32 to vector<16xf32>
    %sub3A_474 = arith.subf %sub3A_473, %mul3A_471 : vector<16xf32>
    %mul3A_475 = arith.mulf %mul3A_469, %sub3A_474 : vector<16xf32>
    %mul3A_476 = arith.mulf %add3A_446, %mul3A_475 : vector<16xf32>
    %mul3A_477 = arith.mulf %sub3A_342, %sub3A_435 : vector<16xf32>
    %mul3A_478 = arith.mulf %sub3A_345, %sub3A_438 : vector<16xf32>
    %add3A_479 = arith.addf %mul3A_477, %mul3A_478 : vector<16xf32>
    %mul3A_480 = arith.mulf %sub3A_348, %sub3A_441 : vector<16xf32>
    %add3A_481 = arith.addf %add3A_479, %mul3A_480 : vector<16xf32>
    %add3A_482 = arith.constant 9.99999996E-13 : f32
    %add3A_483 = vector.broadcast %add3A_482 : f32 to vector<16xf32>
    %add3A_484 = arith.addf %mul3A_381, %add3A_483 : vector<16xf32>
    %add3A_485 = arith.constant 9.99999996E-13 : f32
    %add3A_486 = vector.broadcast %add3A_485 : f32 to vector<16xf32>
    %add3A_487 = arith.addf %mul3A_476, %add3A_486 : vector<16xf32>
    %mul3A_488 = arith.mulf %add3A_484, %add3A_487 : vector<16xf32>
    %div3A = arith.divf %add3A_481, %mul3A_488 : vector<16xf32>
    %add3A_489 = arith.constant 1.000000e+00 : f32
    %add3A_490 = vector.broadcast %add3A_489 : f32 to vector<16xf32>
    %add3A_491 = arith.addf %add3A_490, %div3A : vector<16xf32>
    %iota3A = tpu.iota {dimensions = array<i32: 0>} : vector<16xi32>
    %add3A_492 = arith.constant 1 : i32
    %add3A_493 = vector.broadcast %add3A_492 : i32 to vector<16xi32>
    %add3A_494 = arith.addi %iota3A, %add3A_493 : vector<16xi32>
    %and3A = arith.constant 15 : i32
    %and3A_495 = vector.broadcast %and3A : i32 to vector<16xi32>
    %and3A_496 = arith.andi %add3A_494, %and3A_495 : vector<16xi32>
    %lt3A = arith.constant 0 : i32
    %lt3A_497 = vector.broadcast %lt3A : i32 to vector<16xi32>
    %lt3A_498 = arith.cmpi slt, %and3A_496, %lt3A_497 : vector<16xi32>
    %add3A_499 = arith.constant 16 : i32
    %add3A_500 = vector.broadcast %add3A_499 : i32 to vector<16xi32>
    %add3A_501 = arith.addi %and3A_496, %add3A_500 : vector<16xi32>
    %select_n3A = arith.select %lt3A_498, %add3A_501, %and3A_496 : vector<16xi1>, vector<16xi32>
    %broadcast_in_dim3A = vector.shape_cast %select_n3A : vector<16xi32> to vector<16x1xi32>
    %gather3A = vector.shape_cast %broadcast_in_dim3A : vector<16x1xi32> to vector<16xi32>
    %gather3A_502 = tpu.dynamic_gather %add3A_491[%gather3A] in [0] : vector<16xf32>, vector<16xi32> -> vector<16xf32>
    %add3A_503 = arith.addf %add3A_491, %gather3A_502 : vector<16xf32>
    %add3A_504 = arith.constant 2 : i32
    %add3A_505 = vector.broadcast %add3A_504 : i32 to vector<16xi32>
    %add3A_506 = arith.addi %iota3A, %add3A_505 : vector<16xi32>
    %and3A_507 = arith.constant 15 : i32
    %and3A_508 = vector.broadcast %and3A_507 : i32 to vector<16xi32>
    %and3A_509 = arith.andi %add3A_506, %and3A_508 : vector<16xi32>
    %lt3A_510 = arith.constant 0 : i32
    %lt3A_511 = vector.broadcast %lt3A_510 : i32 to vector<16xi32>
    %lt3A_512 = arith.cmpi slt, %and3A_509, %lt3A_511 : vector<16xi32>
    %add3A_513 = arith.constant 16 : i32
    %add3A_514 = vector.broadcast %add3A_513 : i32 to vector<16xi32>
    %add3A_515 = arith.addi %and3A_509, %add3A_514 : vector<16xi32>
    %select_n3A_516 = arith.select %lt3A_512, %add3A_515, %and3A_509 : vector<16xi1>, vector<16xi32>
    %broadcast_in_dim3A_517 = vector.shape_cast %select_n3A_516 : vector<16xi32> to vector<16x1xi32>
    %gather3A_518 = vector.shape_cast %broadcast_in_dim3A_517 : vector<16x1xi32> to vector<16xi32>
    %gather3A_519 = tpu.dynamic_gather %add3A_503[%gather3A_518] in [0] : vector<16xf32>, vector<16xi32> -> vector<16xf32>
    %add3A_520 = arith.addf %add3A_503, %gather3A_519 : vector<16xf32>
    %add3A_521 = arith.constant 4 : i32
    %add3A_522 = vector.broadcast %add3A_521 : i32 to vector<16xi32>
    %add3A_523 = arith.addi %iota3A, %add3A_522 : vector<16xi32>
    %and3A_524 = arith.constant 15 : i32
    %and3A_525 = vector.broadcast %and3A_524 : i32 to vector<16xi32>
    %and3A_526 = arith.andi %add3A_523, %and3A_525 : vector<16xi32>
    %lt3A_527 = arith.constant 0 : i32
    %lt3A_528 = vector.broadcast %lt3A_527 : i32 to vector<16xi32>
    %lt3A_529 = arith.cmpi slt, %and3A_526, %lt3A_528 : vector<16xi32>
    %add3A_530 = arith.constant 16 : i32
    %add3A_531 = vector.broadcast %add3A_530 : i32 to vector<16xi32>
    %add3A_532 = arith.addi %and3A_526, %add3A_531 : vector<16xi32>
    %select_n3A_533 = arith.select %lt3A_529, %add3A_532, %and3A_526 : vector<16xi1>, vector<16xi32>
    %broadcast_in_dim3A_534 = vector.shape_cast %select_n3A_533 : vector<16xi32> to vector<16x1xi32>
    %gather3A_535 = vector.shape_cast %broadcast_in_dim3A_534 : vector<16x1xi32> to vector<16xi32>
    %gather3A_536 = tpu.dynamic_gather %add3A_520[%gather3A_535] in [0] : vector<16xf32>, vector<16xi32> -> vector<16xf32>
    %add3A_537 = arith.addf %add3A_520, %gather3A_536 : vector<16xf32>
    %add3A_538 = arith.constant 8 : i32
    %add3A_539 = vector.broadcast %add3A_538 : i32 to vector<16xi32>
    %add3A_540 = arith.addi %iota3A, %add3A_539 : vector<16xi32>
    %and3A_541 = arith.constant 15 : i32
    %and3A_542 = vector.broadcast %and3A_541 : i32 to vector<16xi32>
    %and3A_543 = arith.andi %add3A_540, %and3A_542 : vector<16xi32>
    %lt3A_544 = arith.constant 0 : i32
    %lt3A_545 = vector.broadcast %lt3A_544 : i32 to vector<16xi32>
    %lt3A_546 = arith.cmpi slt, %and3A_543, %lt3A_545 : vector<16xi32>
    %add3A_547 = arith.constant 16 : i32
    %add3A_548 = vector.broadcast %add3A_547 : i32 to vector<16xi32>
    %add3A_549 = arith.addi %and3A_543, %add3A_548 : vector<16xi32>
    %select_n3A_550 = arith.select %lt3A_546, %add3A_549, %and3A_543 : vector<16xi1>, vector<16xi32>
    %broadcast_in_dim3A_551 = vector.shape_cast %select_n3A_550 : vector<16xi32> to vector<16x1xi32>
    %gather3A_552 = vector.shape_cast %broadcast_in_dim3A_551 : vector<16x1xi32> to vector<16xi32>
    %gather3A_553 = tpu.dynamic_gather %add3A_537[%gather3A_552] in [0] : vector<16xf32>, vector<16xi32> -> vector<16xf32>
    %add3A_554 = arith.addf %add3A_537, %gather3A_553 : vector<16xf32>
    %swap3A = arith.constant 0 : index
    %swap3A_555 = tpu.vector_load %arg13[%swap3A] {strides = array<i32>} : memref<16xf32, #tpu.memory_space<vmem>>, vector<16xf32>,
    %swap3A_556 = vector.shape_cast %swap3A_555 : vector<16xf32> to vector<16xf32>
    %swap3A_557 = vector.shape_cast %add3A_554 : vector<16xf32> to vector<16xf32>
    tpu.vector_store %arg13[%swap3A], %swap3A_557 {strides = array<i32>} : memref<16xf32, #tpu.memory_space<vmem>>, vector<16xf32>,
    "tpu.region"() ({
      %run_scoped3A = tpu.sem_alloc : memref<!tpu.dma_semaphore, #tpu.memory_space<semaphore_mem>>
      %dma_start3A_558 = arith.constant 0 : i32
      %dma_start3A_559 = tpu.memref_slice %arg9[%add3A, %dma_start3A_558] : memref<32x16xf32, #tpu.memory_space<hbm>> -> memref<1x16xf32, #tpu.memory_space<hbm>>
      %dma_start3A_560 = tpu.memref_squeeze %dma_start3A_559 : memref<1x16xf32, #tpu.memory_space<hbm>> -> memref<16xf32, #tpu.memory_space<hbm>>
      %dma_start3A_561 = arith.constant 0 : i32
      %dma_start3A_562 = tpu.memref_slice %arg9[%add3A, %dma_start3A_561] : memref<32x16xf32, #tpu.memory_space<hbm>> -> memref<1x16xf32, #tpu.memory_space<hbm>>
      %dma_start3A_563 = tpu.memref_squeeze %dma_start3A_562 : memref<1x16xf32, #tpu.memory_space<hbm>> -> memref<16xf32, #tpu.memory_space<hbm>>
      tpu.enqueue_dma source(%arg13 : memref<16xf32, #tpu.memory_space<vmem>>) target(%dma_start3A_563 : memref<16xf32, #tpu.memory_space<hbm>>) target_semaphore(%run_scoped3A : memref<!tpu.dma_semaphore, #tpu.memory_space<semaphore_mem>>)
      %dma_wait3A_564 = arith.constant 0 : i32
      %dma_wait3A_565 = tpu.memref_slice %arg9[%add3A, %dma_wait3A_564] : memref<32x16xf32, #tpu.memory_space<hbm>> -> memref<1x16xf32, #tpu.memory_space<hbm>>
      %dma_wait3A_566 = tpu.memref_squeeze %dma_wait3A_565 : memref<1x16xf32, #tpu.memory_space<hbm>> -> memref<16xf32, #tpu.memory_space<hbm>>
      %dma_wait3A_567 = arith.constant 0 : i32
      %dma_wait3A_568 = tpu.memref_slice %arg9[%add3A, %dma_wait3A_567] : memref<32x16xf32, #tpu.memory_space<hbm>> -> memref<1x16xf32, #tpu.memory_space<hbm>>
      %dma_wait3A_569 = tpu.memref_squeeze %dma_wait3A_568 : memref<1x16xf32, #tpu.memory_space<hbm>> -> memref<16xf32, #tpu.memory_space<hbm>>
      tpu.wait_dma2 semaphore(%run_scoped3A : memref<!tpu.dma_semaphore, #tpu.memory_space<semaphore_mem>>) src(%arg13 : memref<16xf32, #tpu.memory_space<vmem>>) dst(%dma_wait3A_569 : memref<16xf32, #tpu.memory_space<hbm>>)
      tpu.yield
    }) : () -> ()
    return
  }
}

module attributes {stable_mosaic.version = 14 : i64} {
  func.func @_contact_body(%arg0: i32, %arg1: i32, %arg2: memref<1x512x3xf32, #tpu.memory_space<vmem>>, %arg3: memref<1x3x3584xf32, #tpu.memory_space<vmem>>, %arg4: memref<512x3584xi32, #tpu.memory_space<vmem>>, %arg5: memref<1x1x3584xf32, #tpu.memory_space<vmem>>, %arg6: memref<1x1x128xf32, #tpu.memory_space<vmem>>, %arg7: memref<8x3584xf32, #tpu.memory_space<vmem>>) attributes {dimension_semantics = [#tpu.dimension_semantics<arbitrary>, #tpu.dimension_semantics<arbitrary>], iteration_bounds = array<i64: 4, 7>, scalar_prefetch = 0 : i64, scratch_operands = 1 : i64, tpu.core_type = #tpu.core_type<tc>, window_params = [{transform_indices = @transform_0, window_bounds = array<i64: 1, 512, 3>}, {transform_indices = @transform_1, window_bounds = array<i64: 1, 3, 3584>}, {pipeline_mode = #tpu.pipeline_mode<synchronous>, transform_indices = @transform_2, window_bounds = array<i64: 512, 3584>}, {transform_indices = @transform_3, window_bounds = array<i64: 1, 1, 3584>}, {transform_indices = @transform_4, window_bounds = array<i64: 1, 1, 128>}]} {
    %get3A = arith.constant 0 : index
    %get3A_0 = arith.constant 0 : index
    %get3A_1 = arith.constant 0 : index
    %get3A_2 = vector.load %arg2[%get3A, %get3A_0, %get3A_1] : memref<1x512x3xf32, #tpu.memory_space<vmem>>, vector<1x512x3xf32>
    %get3A_3 = vector.shape_cast %get3A_2 : vector<1x512x3xf32> to vector<512x3xf32>
    %get3A_4 = arith.constant 0 : index
    %get3A_5 = arith.constant 0 : index
    %get3A_6 = arith.constant 0 : index
    %get3A_7 = vector.load %arg3[%get3A_4, %get3A_5, %get3A_6] : memref<1x3x3584xf32, #tpu.memory_space<vmem>>, vector<1x3x3584xf32>
    %get3A_8 = vector.shape_cast %get3A_7 : vector<1x3x3584xf32> to vector<3x3584xf32>
    %mul3A = arith.mulf %get3A_3, %get3A_3 : vector<512x3xf32>
    %reduce_sum3A = arith.constant dense<0.000000e+00> : vector<512xf32>
    %reduce_sum3A_9 = vector.multi_reduction <add>, %mul3A, %reduce_sum3A [1] : vector<512x3xf32> to vector<512xf32>
    %broadcast_in_dim3A = vector.shape_cast %reduce_sum3A_9 : vector<512xf32> to vector<512x1xf32>
    %mul3A_10 = arith.mulf %get3A_8, %get3A_8 : vector<3x3584xf32>
    %reduce_sum3A_11 = arith.constant dense<0.000000e+00> : vector<3584xf32>
    %reduce_sum3A_12 = vector.multi_reduction <add>, %mul3A_10, %reduce_sum3A_11 [0] : vector<3x3584xf32> to vector<3584xf32>
    %broadcast_in_dim3A_13 = vector.shape_cast %reduce_sum3A_12 : vector<3584xf32> to vector<1x3584xf32>
    %mul3A_14 = arith.constant -2.000000e+00 : f32
    %mul3A_15 = vector.broadcast %mul3A_14 : f32 to vector<512x3xf32>
    %mul3A_16 = arith.mulf %get3A_3, %mul3A_15 : vector<512x3xf32>
    %convert_element_type3A = arith.truncf %mul3A_16 : vector<512x3xf32> to vector<512x3xbf16>
    %convert_element_type3A_17 = arith.truncf %get3A_8 : vector<3x3584xf32> to vector<3x3584xbf16>
    %dot_general3A = arith.constant dense<0.000000e+00> : vector<512x3584xf32>
    %dot_general3A_18 = tpu.matmul %convert_element_type3A, %convert_element_type3A_17, %dot_general3A {dimension_numbers = #tpu.dot_dimension_numbers<[1], [0], [0], [1], [0, 0, 1, 1], [], []>, transpose_lhs_hint = false} : vector<512x3xbf16>, vector<3x3584xbf16>, vector<512x3584xf32> -> vector<512x3584xf32>
    %add3A = vector.broadcast %broadcast_in_dim3A : vector<512x1xf32> to vector<512x3584xf32>
    %add3A_19 = vector.broadcast %broadcast_in_dim3A_13 : vector<1x3584xf32> to vector<512x3584xf32>
    %add3A_20 = arith.addf %add3A, %add3A_19 : vector<512x3584xf32>
    %add3A_21 = arith.addf %add3A_20, %dot_general3A_18 : vector<512x3584xf32>
    %get3A_22 = arith.constant 0 : index
    %get3A_23 = arith.constant 0 : index
    %get3A_24 = vector.load %arg4[%get3A_22, %get3A_23] : memref<512x3584xi32, #tpu.memory_space<vmem>>, vector<512x3584xi32>
    %mul3A_25 = arith.constant 512 : i32
    %mul3A_26 = arith.muli %arg1, %mul3A_25 : i32
    %eq3A = vector.broadcast %mul3A_26 : i32 to vector<512x3584xi32>
    %eq3A_27 = arith.cmpi eq, %get3A_24, %eq3A : vector<512x3584xi32>
    %jit3A = arith.constant 1.000000e+10 : f32
    %broadcast_in_dim3A_28 = vector.broadcast %jit3A : f32 to vector<512x3584xf32>
    %select_n3A = arith.select %eq3A_27, %broadcast_in_dim3A_28, %add3A_21 : vector<512x3584xi1>, vector<512x3584xf32>
    %reduce_min3A = arith.constant dense<0x7F800000> : vector<3584xf32>
    %reduce_min3A_29 = vector.multi_reduction <minimumf>, %select_n3A, %reduce_min3A [0] : vector<512x3584xf32> to vector<3584xf32>
    %broadcast_in_dim3A_30 = vector.shape_cast %reduce_min3A_29 : vector<3584xf32> to vector<1x3584xf32>
    %eq3A_31 = arith.constant 0 : i32
    %eq3A_32 = arith.cmpi eq, %arg1, %eq3A_31 : i32
    %convert_element_type3A_33 = arith.extui %eq3A_32 : i1 to i32
    %cond3A = arith.constant 0 : i32
    %cond3A_34 = arith.cmpi ne, %convert_element_type3A_33, %cond3A : i32
    scf.if %cond3A_34 {
      %swap3A = arith.constant 0 : index
      %swap3A_44 = arith.constant 0 : index
      %swap3A_45 = vector.load %arg7[%swap3A, %swap3A_44] : memref<8x3584xf32, #tpu.memory_space<vmem>>, vector<1x3584xf32>
      tpu.vector_store %arg7[%swap3A, %swap3A_44], %broadcast_in_dim3A_30 {strides = array<i32>} : memref<8x3584xf32, #tpu.memory_space<vmem>>, vector<1x3584xf32>,
    } else {
    }
    %gt3A = arith.constant 0 : i32
    %gt3A_35 = arith.cmpi sgt, %arg1, %gt3A : i32
    %convert_element_type3A_36 = arith.extui %gt3A_35 : i1 to i32
    %cond3A_37 = arith.constant 0 : i32
    %cond3A_38 = arith.cmpi ne, %convert_element_type3A_36, %cond3A_37 : i32
    scf.if %cond3A_38 {
      %get3A_44 = arith.constant 0 : index
      %get3A_45 = arith.constant 0 : index
      %get3A_46 = vector.load %arg7[%get3A_44, %get3A_45] : memref<8x3584xf32, #tpu.memory_space<vmem>>, vector<1x3584xf32>
      %min3A = arith.minimumf %get3A_46, %broadcast_in_dim3A_30 : vector<1x3584xf32>
      %swap3A = arith.constant 0 : index
      %swap3A_47 = arith.constant 0 : index
      %swap3A_48 = vector.load %arg7[%swap3A, %swap3A_47] : memref<8x3584xf32, #tpu.memory_space<vmem>>, vector<1x3584xf32>
      tpu.vector_store %arg7[%swap3A, %swap3A_47], %min3A {strides = array<i32>} : memref<8x3584xf32, #tpu.memory_space<vmem>>, vector<1x3584xf32>,
    } else {
    }
    %eq3A_39 = arith.constant 6 : i32
    %eq3A_40 = arith.cmpi eq, %arg1, %eq3A_39 : i32
    %convert_element_type3A_41 = arith.extui %eq3A_40 : i1 to i32
    %cond3A_42 = arith.constant 0 : i32
    %cond3A_43 = arith.cmpi ne, %convert_element_type3A_41, %cond3A_42 : i32
    scf.if %cond3A_43 {
      %get3A_44 = arith.constant 0 : index
      %get3A_45 = arith.constant 0 : index
      %get3A_46 = vector.load %arg7[%get3A_44, %get3A_45] : memref<8x3584xf32, #tpu.memory_space<vmem>>, vector<1x3584xf32>
      %max3A = arith.constant 9.99999996E-13 : f32
      %max3A_47 = vector.broadcast %max3A : f32 to vector<1x3584xf32>
      %max3A_48 = arith.maximumf %get3A_46, %max3A_47 : vector<1x3584xf32>
      %sqrt3A = math.sqrt %max3A_48 : vector<1x3584xf32>
      %mul3A_49 = arith.constant 2.000000e+02 : f32
      %mul3A_50 = vector.broadcast %mul3A_49 : f32 to vector<1x3584xf32>
      %mul3A_51 = arith.mulf %sqrt3A, %mul3A_50 : vector<1x3584xf32>
      %tanh3A = math.tanh %mul3A_51 : vector<1x3584xf32>
      %mul3A_52 = arith.constant 2.500000e+01 : f32
      %mul3A_53 = vector.broadcast %mul3A_52 : f32 to vector<1x3584xf32>
      %mul3A_54 = arith.mulf %sqrt3A, %mul3A_53 : vector<1x3584xf32>
      %tanh3A_55 = math.tanh %mul3A_54 : vector<1x3584xf32>
      %get3A_56 = arith.constant 0 : index
      %get3A_57 = arith.constant 0 : index
      %get3A_58 = arith.constant 0 : index
      %get3A_59 = vector.load %arg5[%get3A_56, %get3A_57, %get3A_58] : memref<1x1x3584xf32, #tpu.memory_space<vmem>>, vector<1x1x3584xf32>
      %get3A_60 = vector.shape_cast %get3A_59 : vector<1x1x3584xf32> to vector<1x3584xf32>
      %eq3A_61 = arith.constant 1.000000e+00 : f32
      %eq3A_62 = vector.broadcast %eq3A_61 : f32 to vector<1x3584xf32>
      %eq3A_63 = arith.cmpf oeq, %get3A_60, %eq3A_62 : vector<1x3584xf32>
      %mul3A_64 = arith.mulf %tanh3A, %tanh3A : vector<1x3584xf32>
      %mul3A_65 = arith.constant 1.250000e-02 : f32
      %mul3A_66 = vector.broadcast %mul3A_65 : f32 to vector<1x3584xf32>
      %mul3A_67 = arith.mulf %mul3A_66, %mul3A_64 : vector<1x3584xf32>
      %eq3A_68 = arith.constant 0.000000e+00 : f32
      %eq3A_69 = vector.broadcast %eq3A_68 : f32 to vector<1x3584xf32>
      %eq3A_70 = arith.cmpf oeq, %get3A_60, %eq3A_69 : vector<1x3584xf32>
      %mul3A_71 = arith.mulf %tanh3A_55, %tanh3A_55 : vector<1x3584xf32>
      %mul3A_72 = arith.constant 1.000000e+00 : f32
      %mul3A_73 = vector.broadcast %mul3A_72 : f32 to vector<1x3584xf32>
      %mul3A_74 = arith.mulf %mul3A_73, %mul3A_71 : vector<1x3584xf32>
      %jit3A_75 = arith.constant 0.000000e+00 : f32
      %broadcast_in_dim3A_76 = vector.broadcast %jit3A_75 : f32 to vector<1x3584xf32>
      %select_n3A_77 = arith.select %eq3A_70, %mul3A_74, %broadcast_in_dim3A_76 : vector<1x3584xi1>, vector<1x3584xf32>
      %select_n3A_78 = arith.select %eq3A_63, %mul3A_67, %select_n3A_77 : vector<1x3584xi1>, vector<1x3584xf32>
      %reduce_sum3A_79 = vector.shape_cast %select_n3A_78 : vector<1x3584xf32> to vector<1x1x3584xf32>
      %reduce_sum3A_80 = arith.constant dense<0.000000e+00> : vector<1xf32>
      %reduce_sum3A_81 = vector.multi_reduction <add>, %reduce_sum3A_79, %reduce_sum3A_80 [1, 2] : vector<1x1x3584xf32> to vector<1xf32>
      %reduce_sum3A_82 = vector.shape_cast %reduce_sum3A_81 : vector<1xf32> to vector<1x1x1xf32>
      %reduce_sum3A_83 = vector.extract %reduce_sum3A_82[0, 0, 0] : f32 from vector<1x1x1xf32>
      %broadcast_in_dim3A_84 = vector.broadcast %reduce_sum3A_83 : f32 to vector<1x128xf32>
      %swap3A = arith.constant 0 : index
      %swap3A_85 = arith.constant 0 : index
      %swap3A_86 = arith.constant 0 : index
      %swap3A_87 = vector.load %arg6[%swap3A, %swap3A_85, %swap3A_86] : memref<1x1x128xf32, #tpu.memory_space<vmem>>, vector<1x1x128xf32>
      %swap3A_88 = vector.shape_cast %swap3A_87 : vector<1x1x128xf32> to vector<1x128xf32>
      %swap3A_89 = vector.shape_cast %broadcast_in_dim3A_84 : vector<1x128xf32> to vector<1x1x128xf32>
      tpu.vector_store %arg6[%swap3A, %swap3A_85, %swap3A_86], %swap3A_89 {strides = array<i32>} : memref<1x1x128xf32, #tpu.memory_space<vmem>>, vector<1x1x128xf32>,
    } else {
    }
    return
  }
  func.func @transform_0(%arg0: i32, %arg1: i32) -> (i32, i32, i32) {
    %c0_i32 = arith.constant 0 : i32
    %c0_i32_0 = arith.constant 0 : i32
    return %arg0, %arg1, %c0_i32 : i32, i32, i32
  }
  func.func @transform_1(%arg0: i32, %arg1: i32) -> (i32, i32, i32) {
    %c0_i32 = arith.constant 0 : i32
    %c0_i32_0 = arith.constant 0 : i32
    %c0_i32_1 = arith.constant 0 : i32
    return %arg0, %c0_i32, %c0_i32_0 : i32, i32, i32
  }
  func.func @transform_2(%arg0: i32, %arg1: i32) -> (i32, i32) {
    %c0_i32 = arith.constant 0 : i32
    %c0_i32_0 = arith.constant 0 : i32
    %c0_i32_1 = arith.constant 0 : i32
    return %c0_i32, %c0_i32_0 : i32, i32
  }
  func.func @transform_3(%arg0: i32, %arg1: i32) -> (i32, i32, i32) {
    %c0_i32 = arith.constant 0 : i32
    %c0_i32_0 = arith.constant 0 : i32
    %c0_i32_1 = arith.constant 0 : i32
    return %arg0, %c0_i32, %c0_i32_0 : i32, i32, i32
  }
  func.func @transform_4(%arg0: i32, %arg1: i32) -> (i32, i32, i32) {
    %c0_i32 = arith.constant 0 : i32
    %c0_i32_0 = arith.constant 0 : i32
    %c0_i32_1 = arith.constant 0 : i32
    return %arg0, %c0_i32, %c0_i32_0 : i32, i32, i32
  }
}

</mosaic_0001>

<sc_bundles>
// kernel: kernel.4.cloned.1.call-start
scs
__scs_entry_jumppad:
0x0: {  	(pc) =	sbr.rel $0x88, $3  }
0x1: {  	(tag) =	ssettag $0x0;
	lr =	simm.s32 $0x1  }
0x2: {  	[smem:$0x3F9D] =	sst lr;
	_ =	strace $0xD0000000  }
0x3: {  	_ = 	snop  }
0x4: {  	_ = 	snop  }
0x5: {  	_ = 	snop  }
0x6: {  	_ = 	snop  }
0x7: {  	_ = 	snop  }
__scs_overlays_trampoline_lowered:
0x8: {  	[smem:$0x3FAC] =	sst s0  }
0x9: {  	[smem:$0x3FAD] =	sst s1  }
0xa: {  	[smem:$0x3FAE] =	sst s2  }
0xb: {  	[smem:$0x3FAF] =	sst s3  }
0xc: {  	[smem:$0x3FB0] =	sst s4  }
0xd: {  	[smem:$0x3FB1] =	sst s5  }
0xe: {  	[smem:$0x3FB2] =	sst s6  }
0xf: {  	[smem:$0x3FB3] =	sst s7  }
0x10: {  	[smem:$0x3FB4] =	sst s8  }
0x11: {  	[smem:$0x3FB5] =	sst s9;
	s0 =	simm.s32 @!p0 $0x0  }
0x12: {  	s1 =	sld [smem:$0x3F9B];
	s0 =	simm.s32 @p0 $0x1  }
0x13: {  	[smem:$0x3FB6] =	sst s0;
	s0 =	simm.s32 @!p1 $0x0  }
0x14: {  	s2 =	sld [smem:$0x3F9A];
	s0 =	simm.s32 @p1 $0x1  }
0x15: {  	[smem:$0x3FB7] =	sst s0;
	s0 =	simm.s32 @!p2 $0x0  }
0x16: {  	s3 =	sld [smem:$0x3FDB];
	s0 =	simm.s32 @p2 $0x1  }
0x17: {  	s4 =	simm.s32 $0x1BF5;
	[smem:$0x3FB9] =	sst s0  }
0x18: {  	s0 =	sld [smem:$0x3F9C];
	_ =	swait.ge [sflag:s4], $0x0  }
0x19: {  	s7 =	sld [smem:$0x3F9D]  }
0x1a: {  	s8 =	sadd.s32 $0xFFFFE003, lr  }
0x1b: {  	s9 =	sadd.s32 $0xFFFFFEF7, lr;
	s5 =	simm.s32 $0xFFFFFFFF;
	p2 =	slt.u32 s8, $0xFFFFF086  }
0x1c: {  	p1 =	slt.u32 s9, $0xF7A;
	s5 =	simm.s32 @!p2 $0x0  }
0x1d: {  	s5 =	simm.s32 @p1 $0x1;
	p0 =	seq.s32 s7, s2  }
0x1e: {  	s7 =	smul.u32 @!p0 $0xF7A, s2;
	p2 =	seq.s32 @!p0 s5, $0x0  }
0x1f: {  	s9 =	smul.u32 $0xF7A, s1;
	s8 =	simm.s32 @!p0 $0x1BF5;
	p2 =	por !p2, p0  }
0x20: {  	[sflag:s8] =	ssyncset.s32 @!p0 $0xFFFFF086;
	s6 =	sadd.s32 @!p0 s3, s7;
	s7 =	simm.s32 @!p0 $0x108  }
0x21: {  	s3 =	sadd.s32 s3, s9;
	s6 =	sadd.s32 @!p0 $0x88, s6;
	s7 =	simm.s32 @p2 $0x1082  }
0x22: {  	[simem:s7], [sflag:s8] =	dma.local @!p0 [hbm:s6], $0xF7A  }
0x23: {  	s9 =	sor.u32 $0xD0000000, s2;
	s6 =	simm.s32 $0x108;
	_ =	swait.ge @!p0 [sflag:s8], $0x0  }
0x24: {  	s3 =	sadd.s32 $0x88, s3;
	s6 =	simm.s32 @!p1 $0x1082;
	[sflag:s4] =	ssyncset.s32 $0xFFFFF086  }
0x25: {  	[simem:s6], [sflag:s4] =	dma.local [hbm:s3], $0xF7A  }
0x26: {  	[smem:$0x3F9D] =	sst s1;
	(tag) =	ssettag s2;
	_ =	strace s9  }
0x27: {  	s1 =	sld [smem:$0x3FAD]  }
0x28: {  	s2 =	sld [smem:$0x3FAE]  }
0x29: {  	s4 =	sld [smem:$0x3FB0]  }
0x2a: {  	p0 =	seq.s32 s5, $0x0;
	s5 =	sld [smem:$0x3FB1]  }
0x2b: {  	s6 =	sld [smem:$0x3FB2]  }
0x2c: {  	s7 =	sld [smem:$0x3FB3]  }
0x2d: {  	s3 =	simm.s32 $0x108;
	s8 =	sld [smem:$0x3FB4]  }
0x2e: {  	s3 =	simm.s32 @!p0 $0x1082;
	s9 =	sld [smem:$0x3FB5]  }
0x2f: {  	lr =	sadd.s32 s0, s3;
	s0 =	sld [smem:$0x3FAC]  }
0x30: {  	s3 =	sld [smem:$0x3FAF]  }
0x31: {  	[smem:$0x3FB8] =	sst s10  }
0x32: {  	s10 =	sld [smem:$0x3FB6];
	_ =	sdelay $0x3  }
0x33: {  	p0 =	seq.s32 s10, $0x1;
	s10 =	sld [smem:$0x3FB8];
	_ =	sdelay $0x3  }
0x34: {  	[smem:$0x3FB8] =	sst s10  }
0x35: {  	s10 =	sld [smem:$0x3FB7];
	_ =	sdelay $0x3  }
0x36: {  	p1 =	seq.s32 s10, $0x1;
	s10 =	sld [smem:$0x3FB8];
	_ =	sdelay $0x3  }
0x37: {  	[smem:$0x3FB8] =	sst s10  }
0x38: {  	s10 =	sld [smem:$0x3FB9]  }
0x39: {  	_ = 	snop;
	(pc) =	sbr.ind lr, $3  }
0x3a: {  	_ = 	snop  }
0x3b: {  	_ = 	snop  }
0x3c: {  	p2 =	seq.s32 s10, $0x1;
	s10 =	sld [smem:$0x3FB8]  }
0x3d: {  	_ =	shalt  }
0x3e: {  	_ =	shalt  }
0x3f: {  	_ =	shalt  }
0x40: {  	_ =	shalt  }
0x41: {  	_ =	shalt  }
0x42: {  	_ =	shalt  }
0x43: {  	_ =	shalt  }
0x44: {  	_ =	shalt  }
0x45: {  	_ =	shalt  }
0x46: {  	_ =	shalt  }
0x47: {  	_ =	shalt  }
0x48: {  	_ =	shalt  }
0x49: {  	_ =	shalt  }
0x4a: {  	_ =	shalt  }
0x4b: {  	_ =	shalt  }
0x4c: {  	_ =	shalt  }
0x4d: {  	_ =	shalt  }
0x4e: {  	_ =	shalt  }
0x4f: {  	_ =	shalt  }
0x50: {  	_ =	shalt  }
0x51: {  	_ =	shalt  }
0x52: {  	_ =	shalt  }
0x53: {  	_ =	shalt  }
0x54: {  	_ =	shalt  }
0x55: {  	_ =	shalt  }
0x56: {  	_ =	shalt  }
0x57: {  	_ =	shalt  }
0x58: {  	_ =	shalt  }
0x59: {  	_ =	shalt  }
0x5a: {  	_ =	shalt  }
0x5b: {  	_ =	shalt  }
0x5c: {  	_ =	shalt  }
0x5d: {  	_ =	shalt  }
0x5e: {  	_ =	shalt  }
0x5f: {  	_ =	shalt  }
0x60: {  	_ =	shalt  }
0x61: {  	_ =	shalt  }
0x62: {  	_ =	shalt  }
0x63: {  	_ =	shalt  }
0x64: {  	_ =	shalt  }
0x65: {  	_ =	shalt  }
0x66: {  	_ =	shalt  }
0x67: {  	_ =	shalt  }
0x68: {  	_ =	shalt  }
0x69: {  	_ =	shalt  }
0x6a: {  	_ =	shalt  }
0x6b: {  	_ =	shalt  }
0x6c: {  	_ =	shalt  }
0x6d: {  	_ =	shalt  }
0x6e: {  	_ =	shalt  }
0x6f: {  	_ =	shalt  }
0x70: {  	_ =	shalt  }
0x71: {  	_ =	shalt  }
0x72: {  	_ =	shalt  }
0x73: {  	_ =	shalt  }
0x74: {  	_ =	shalt  }
0x75: {  	_ =	shalt  }
0x76: {  	_ =	shalt  }
0x77: {  	_ =	shalt  }
0x78: {  	_ =	shalt  }
0x79: {  	_ =	shalt  }
0x7a: {  	_ =	shalt  }
0x7b: {  	_ =	shalt  }
0x7c: {  	_ =	shalt  }
0x7d: {  	_ =	shalt  }
0x7e: {  	_ =	shalt  }
0x7f: {  	_ =	shalt  }
0x80: {  	_ =	shalt  }
0x81: {  	_ =	shalt  }
0x82: {  	_ =	shalt  }
0x83: {  	_ =	shalt  }
0x84: {  	_ =	shalt  }
0x85: {  	_ =	shalt  }
0x86: {  	_ =	shalt  }
0x87: {  	_ =	shalt  }
.Lfunc_end0:
.L_simem_size_0:
called_computation_lowered:
.L_overlay_start_0:
0x88: {  	s2 =	sld [smem:$0x3FD9]  }
0x89: {  	s3 =	sld [smem:$0x3FFE];
	_ =	sdelay $0x1  }
0x8a: {  	s1 =	srdreg.scid  }
0x8b: {  	s0 =	sand.u32 $0x1, s1  }
0x8c: {  	s16 =	sshll.u32 s0, $0xA;
	s2 =	sadd.s32 s3, s2  }
0x8d: {  	s2 =	sadd.s32 s2, s16  }
0x8e: {  	[smem:$0x3FC4] =	sst s2  }
0x8f: {  	_ = 	snop  }
0x90: {  	(tm) =	ssettm $0x1  }
0x91: {  	s17 =	sld [smem:$0x3FFB];
	_ =	sdelay $0x3  }
0x92: {  	_ =	strace s17  }
0x93: {  	s2 =	sld [smem:$0x3FFC];
	_ =	sdelay $0x3  }
0x94: {  	_ =	strace s2  }
0x95: {  	s2 =	sld [smem:$0x3FFD];
	_ =	sdelay $0x3  }
0x96: {  	_ =	strace s2  }
0x97: {  	_ =	strace $0x8FFFFFFF  }
0x98: {  	s18 =	sld [smem:$0x3FDB];
	_ =	sdelay $0x1  }
0x99: {  	s19 =	simm.s32 $_scs_section_size  }
0x9a: {  	s4 =	simm.s32 $_size__tile_overlayer_lowered;
	s5 =	simm.s32 $_tile_overlayer_lowered  }
0x9b: {  	s22 =	simm.s32 $0x1BFF;
	s21 =	sshll.u32 s5, $0x1;
	s2 =	sadd.s32 s19, s18  }
0x9c: {  	s6 =	simm.s32 $0x0;
	s20 =	sshll.u32 s4, $0x1;
	s4 =	sadd.s32 s21, s2  }
0x9d: {  	[timem:s6], [sflag:s22] =	dma.local [hbm:s4], s20  }
0x9e: {  	_ =	swait.ge [sflag:s22], s20  }
0x9f: {  	s3 =	ssub.s32 $0x0, s20;
	[sflag:s22] =	ssyncset.done $0x0  }
0xa0: {  	[sflag:s22] =	ssyncadd.s32 s3;
	_ =	sdelay $0x1  }
0xa1: {  	s23 =	simm.s32 $0x1B8B  }
0xa2: {  	_ =	swait.ge [sflag:s23], $0x1  }
0xa3: {  	[sflag:s23] =	ssyncset.done $0x0  }
0xa4: {  	s25 =	simm.s32 $0x1B8E;
	s24 =	sld [smem:$0x3FFE];
	[sflag:s23] =	ssyncadd.s32 $0xFFFFFFFF  }
0xa5: {  	s26 =	simm.s32 $execute0_lowered;
	[smem:$0x3FD2] =	sst s25  }
0xa6: {  	s4 =	sshll.u32 s26, $0x1;
	_ =	strace $0x80000046;
	[dreg:$0x1] =	wrdreg $0xFFFFFFFF  }
0xa7: {  	s28 =	simm.s32 $_size_execute0_lowered;
	s2 =	sadd.s32 s2, s4;
	[dreg:$0x0] =	wrdreg $0x0  }
0xa8: {  	s4 =	sshll.u32 s28, $0x1;
	[dreg:$0x2] =	wrdreg s2  }
0xa9: {  	[dreg:$0x3] =	wrdreg s4  }
0xaa: {  	[dreg:$0x4] =	wrdreg $0xC0  }
0xab: {  	_ =	task [dreg:s6], $0x5FFFF  }
0xac: {  	[dreg:$0x1] =	wrdreg $0xFFFFFFFF  }
0xad: {  	[dreg:$0x0] =	wrdreg $0x60  }
0xae: {  	[dreg:$0x2] =	wrdreg s24  }
0xaf: {  	[dreg:$0x3] =	wrdreg $0x9  }
0xb0: {  	_ =	task.clear_ibuf [dreg:s6], $0x4FFFF;
	_ =	strace $0x90000046  }
0xb1: {  	s29 =	simm.s32 $0x9;
	_ =	strace $0x80000048  }
0xb2: {  	_ =	swait.ge [sflag:s29], $0x1  }
0xb3: {  	[sflag:s29] =	ssyncadd.s32 $0xFFFFFFFF  }
0xb4: {  	_ =	strace $0x90000048  }
0xb5: {  	_ =	sfence  }
0xb6: {  	s30 =	sld [smem:$0x0];
	_ =	sdelay $0x2  }
0xb7: {  	s31 =	sshll.u32 s1, $0xD;
	s1 =	sshrl.u32 s1, $0x2  }
0xb8: {  	s3 =	sand.u32 $0x4000, s31;
	s1 =	sadd.s32 s1, s30  }
0xb9: {  	s0 =	sor.u32 s3, s0;
	s1 =	sshll.u32 s1, $0x11  }
0xba: {  	s0 =	sor.u32 s1, s0  }
0xbb: {  	s0 =	sadd.s32 $0x8F2B, s0  }
0xbc: {  	[sflag:s0] =	ssyncadd.remote.s32 $0x1  }
0xbd: {  	_ =	sfence.sel $0xFFFF  }
0xbe: {  	[dreg:$0x0] =	wrdreg $0xFFFFFFFF;
	(pc) =	sbr.abs _section_cstart, $3  }
0xbf: {  	[dreg:$0x1] =	wrdreg $0xFFFFFFFF  }
0xc0: {  	_ =	task.clear_ibuf [dreg:s6], $0x2FFFF;
	_ =	strace $0x9FFFFFFF  }
0xc1: {  	(tm) =	ssettm $0x7FFFFFFF  }
tec
execute0_lowered:
.L_overlay_start_1:
0x0: {  	(tag) =	ssettag $0x1  }
0x1: {  	s16 =	rddreg [dreg:$0x0]  }
0x2: {  	s2 =	simm.s32 $0x0;
	s0 =	srdreg.scid;
	s1 =	stileid.u32  }
0x3: {  	s22 =	simm.s32 $0x10;
	[smem:$0x7FF] =	sst s2;
	s3 =	sadd.s32 $0x2C00, s16  }
0x4: {  	s0 =	sand.u32 $0x1, s0;
	s4 =	sshll.u32 s1, $0x1;
	s18 =	sadd.s32 $0x2000, s16  }
0x5: {  	_ =	strace $0x80000047;
	[dreg:$0x2] =	wrdreg s3;
	s4 =	sor.u32 s0, s4  }
0x6: {  	s5 =	sadd.s32 $0x1400, s16;
	[dreg:$0x3] =	wrdreg s18;
	s19 =	sshll.u32 s4, $0x1  }
0x7: {  	[dreg:$0x4] =	wrdreg s5;
	s6 =	sshll.u32 s4, $0x4;
	s4 =	sadd.s32 s16, s19  }
0x8: {  	[dreg:$0x7] =	wrdreg s22;
	s20 =	sadd.s32 s6, s16;
	s21 =	sadd.s32 $0x40, s4  }
0x9: {  	[tilespmem:s2], [sflag:$0xA] =	stream.linear.gather [hbm4b:s4+s2], $0x10, $0x38;
	[tilespmem:$0xB00] =	vst v63  }
0xa: {  	s3 =	sadd.s32 $0x3800, s20;
	[dreg:$0x5] =	wrdreg s21  }
0xb: {  	[dreg:$0x6] =	wrdreg s3;
	s3 =	simm.s32 $0xA  }
0xc: {  	_ =	swait.ge [sflag:s3], $0x10  }
0xd: {  	s23 =	rddreg [dreg:$0x5];
	[sflag:s3] =	ssyncset.done $0x0  }
0xe: {  	s24 =	rddreg [dreg:$0x7];
	[sflag:s3] =	ssyncadd.s32 $0xFFFFFFF0  }
0xf: {  	[tilespmem:s24], [sflag:$0xA] =	stream.linear.gather [hbm4b:s23+s2], $0x10, $0x38;
	[tilespmem:$0xB00] =	vst v63  }
0x10: {  	_ =	swait.ge [sflag:s3], $0x10  }
0x11: {  	s5 =	simm.s32 $0x20;
	[sflag:s3] =	ssyncset.done $0x0  }
0x12: {  	s6 =	simm.s32 $0x80;
	s7 =	rddreg [dreg:$0x2];
	[sflag:s3] =	ssyncadd.s32 $0xFFFFFFF0  }
0x13: {  	[tilespmem:s6], [sflag:$0x1] =	stream.indirect.gather [hbm4b:s7+s5], $0x1, s2, s5, $0xb8;
	[tilespmem:$0xB00] =	vst v63  }
0x14: {  	s8 =	rddreg [dreg:$0x3];
	s7 =	simm.s32 $0x100  }
0x15: {  	[tilespmem:s7], [sflag:$0x2] =	stream.indirect.gather [hbm4b:s8+s5], $0x1, s2, s5, $0xb8;
	[tilespmem:$0xB00] =	vst v63  }
0x16: {  	s9 =	simm.s32 $0x1;
	s10 =	rddreg [dreg:$0x4];
	s8 =	simm.s32 $0x180  }
0x17: {  	[tilespmem:s8], [sflag:$0x3] =	stream.indirect.gather [hbm4b:s10+s5], $0x1, s2, s5, $0xb8;
	[tilespmem:$0xB00] =	vst v63  }
0x18: {  	_ =	swait.ge [sflag:s9], $0x20  }
0x19: {  	[sflag:s9] =	ssyncset.done $0x0  }
0x1a: {  	s10 =	simm.s32 $0x2;
	[sflag:s9] =	ssyncadd.s32 $0xFFFFFFE0  }
0x1b: {  	_ =	swait.ge [sflag:s10], $0x20  }
0x1c: {  	[sflag:s10] =	ssyncset.done $0x0  }
0x1d: {  	s11 =	simm.s32 $0x3;
	[sflag:s10] =	ssyncadd.s32 $0xFFFFFFE0  }
0x1e: {  	_ =	swait.ge [sflag:s11], $0x20  }
0x1f: {  	[sflag:s11] =	ssyncset.done $0x0  }
0x20: {  	s25 =	simm.s32 $0x280;
	s12 =	sadd.s32 $0xE00, s16;
	[sflag:s11] =	ssyncadd.s32 $0xFFFFFFE0  }
0x21: {  	[tilespmem:s25], [sflag:$0x1] =	stream.indirect.gather [hbm4b:s12+s5], $0x1, s6, s5, $0xb8;
	[tilespmem:$0xB00] =	vst v63  }
0x22: {  	s26 =	simm.s32 $0x300;
	s14 =	sadd.s32 $0x800, s16  }
0x23: {  	[tilespmem:s26], [sflag:$0x2] =	stream.indirect.gather [hbm4b:s14+s5], $0x1, s6, s5, $0xb8;
	[tilespmem:$0xB00] =	vst v63  }
0x24: {  	s17 =	simm.s32 $0x380;
	s16 =	sadd.s32 $0x200, s16  }
0x25: {  	[tilespmem:s17], [sflag:$0x3] =	stream.indirect.gather [hbm4b:s16+s5], $0x1, s6, s5, $0xb8;
	[tilespmem:$0xB00] =	vst v63  }
0x26: {  	s18 =	simm.s32 $0x400  }
0x27: {  	[tilespmem:s18], [sflag:$0x4] =	stream.indirect.gather [hbm4b:s12+s5], $0x1, s7, s5, $0xb8;
	[tilespmem:$0xB00] =	vst v63  }
0x28: {  	s19 =	simm.s32 $0x480  }
0x29: {  	[tilespmem:s19], [sflag:$0x5] =	stream.indirect.gather [hbm4b:s14+s5], $0x1, s7, s5, $0xb8;
	[tilespmem:$0xB00] =	vst v63  }
0x2a: {  	s20 =	simm.s32 $0x500  }
0x2b: {  	[tilespmem:s20], [sflag:$0x6] =	stream.indirect.gather [hbm4b:s16+s5], $0x1, s7, s5, $0xb8;
	[tilespmem:$0xB00] =	vst v63  }
0x2c: {  	s21 =	simm.s32 $0x580  }
0x2d: {  	[tilespmem:s21], [sflag:$0x7] =	stream.indirect.gather [hbm4b:s12+s5], $0x1, s8, s5, $0xb8;
	[tilespmem:$0xB00] =	vst v63  }
0x2e: {  	s22 =	simm.s32 $0x600  }
0x2f: {  	[tilespmem:s22], [sflag:$0x8] =	stream.indirect.gather [hbm4b:s14+s5], $0x1, s8, s5, $0xb8;
	[tilespmem:$0xB00] =	vst v63  }
0x30: {  	s23 =	simm.s32 $0x680  }
0x31: {  	[tilespmem:s23], [sflag:$0x9] =	stream.indirect.gather [hbm4b:s16+s5], $0x1, s8, s5, $0xb8;
	[tilespmem:$0xB00] =	vst v63  }
0x32: {  	_ =	swait.ge [sflag:s9], $0x20  }
0x33: {  	[sflag:s9] =	ssyncset.done $0x0  }
0x34: {  	[sflag:s9] =	ssyncadd.s32 $0xFFFFFFE0  }
0x35: {  	_ =	swait.ge [sflag:s10], $0x20  }
0x36: {  	[sflag:s10] =	ssyncset.done $0x0  }
0x37: {  	[sflag:s10] =	ssyncadd.s32 $0xFFFFFFE0  }
0x38: {  	_ =	swait.ge [sflag:s11], $0x20  }
0x39: {  	[sflag:s11] =	ssyncset.done $0x0  }
0x3a: {  	s24 =	simm.s32 $0x4;
	[sflag:s11] =	ssyncadd.s32 $0xFFFFFFE0  }
0x3b: {  	_ =	swait.ge [sflag:s24], $0x20  }
0x3c: {  	[sflag:s24] =	ssyncset.done $0x0  }
0x3d: {  	s25 =	simm.s32 $0x5;
	[sflag:s24] =	ssyncadd.s32 $0xFFFFFFE0  }
0x3e: {  	_ =	swait.ge [sflag:s25], $0x20  }
0x3f: {  	[sflag:s25] =	ssyncset.done $0x0  }
0x40: {  	s26 =	simm.s32 $0x6;
	[sflag:s25] =	ssyncadd.s32 $0xFFFFFFE0  }
0x41: {  	_ =	swait.ge [sflag:s26], $0x20  }
0x42: {  	[sflag:s26] =	ssyncset.done $0x0  }
0x43: {  	s28 =	simm.s32 $0x7;
	[sflag:s26] =	ssyncadd.s32 $0xFFFFFFE0  }
0x44: {  	_ =	swait.ge [sflag:s28], $0x20  }
0x45: {  	[sflag:s28] =	ssyncset.done $0x0  }
0x46: {  	s29 =	simm.s32 $0x8;
	[sflag:s28] =	ssyncadd.s32 $0xFFFFFFE0  }
0x47: {  	_ =	swait.ge [sflag:s29], $0x20  }
0x48: {  	[sflag:s29] =	ssyncset.done $0x0  }
0x49: {  	s30 =	simm.s32 $0x9;
	[sflag:s29] =	ssyncadd.s32 $0xFFFFFFE0  }
0x4a: {  	_ =	swait.ge [sflag:s30], $0x20  }
0x4b: {  	[sflag:s30] =	ssyncset.done $0x0  }
0x4c: {  	[sflag:s30] =	ssyncadd.s32 $0xFFFFFFE0  }
0x4d: {  	v0 =	vld [tilespmem:$0x690]  }
0x4e: {  	v1 =	vld [tilespmem:$0x590]  }
0x4f: {  	v2 =	vld [tilespmem:$0x610]  }
0x50: {  	v3 =	vld [tilespmem:$0x680]  }
0x51: {  	v4 =	vld [tilespmem:$0x500]  }
0x52: {  	v5 =	vld [tilespmem:$0x410]  }
0x53: {  	v6 =	vld [tilespmem:$0x580]  }
0x54: {  	v8 =	vld [tilespmem:$0x490]  }
0x55: {  	v9 =	vld [tilespmem:$0x480]  }
0x56: {  	v10 =	vld [tilespmem:$0x310]  }
0x57: {  	v11 =	vld [tilespmem:$0x390]  }
0x58: {  	v12 =	vld [tilespmem:$0x290]  }
0x59: {  	v13 =	vld [tilespmem:$0x380]  }
0x5a: {  	v14 =	vld [tilespmem:$0x280]  }
0x5b: {  	v15 =	vld [tilespmem:$0x300]  }
0x5c: {  	v7 =	vld [tilespmem:$0x600];
	v2 =	vsub.f32 v2, v10  }
0x5d: {  	v16 =	vld [tilespmem:$0x510];
	v0 =	vsub.f32 v0, v11;
	v5 =	vsub.f32 v5, v12  }
0x5e: {  	v17 =	vld [tilespmem:$0x400];
	v8 =	vsub.f32 v8, v10;
	v4 =	vsub.f32 v4, v13  }
0x5f: {  	v1 =	vsub.f32 v1, v12;
	v6 =	vsub.f32 v6, v14  }
0x60: {  	v3 =	vsub.f32 v3, v13;
	v9 =	vsub.f32 v9, v15  }
0x61: {  	v7 =	vsub.f32 v7, v15;
	v44 =	vmul.f32 v0, v5;
	v12 =	vmul.f32 v1, v8  }
0x62: {  	v11 =	vsub.f32 v16, v11;
	v45 =	vmul.f32 v6, v4;
	v5 =	vmul.f32 v2, v5  }
0x63: {  	v14 =	vsub.f32 v17, v14;
	v46 =	vmul.f32 v3, v9;
	v0 =	vmul.f32 v0, v8  }
0x64: {  	v2 =	vmul.f32 v2, v11;
	v1 =	vmul.f32 v1, v11  }
0x65: {  	v4 =	vmul.f32 v7, v4;
	v3 =	vmul.f32 v3, v14  }
0x66: {  	v6 =	vmul.f32 v6, v9;
	v0 =	vsub.f32 v0, v2;
	v1 =	vsub.f32 v1, v44  }
0x67: {  	v2 =	vmul.f32 v7, v14;
	v4 =	vsub.f32 v46, v4;
	v3 =	vsub.f32 v45, v3  }
0x68: {  	v5 =	vsub.f32 v5, v12;
	v7 =	vmul.f32 v0, v0;
	v47 =	vmul.f32 v1, v1  }
0x69: {  	v2 =	vsub.f32 v2, v6;
	v6 =	vmul.f32 v4, v4;
	v48 =	vmul.f32 v3, v3  }
0x6a: {  	v49 =	vmul.f32 v5, v5;
	v7 =	vadd.f32 v47, v7  }
0x6b: {  	v6 =	vadd.f32 v48, v6;
	v50 =	vmul.f32 v2, v2  }
0x6c: {  	v7 =	vadd.f32 v7, v49  }
0x6d: {  	v6 =	vadd.f32 v6, v50  }
0x6e: {  	v8 =	vshrl.u32 v7, $0x1  }
0x6f: {  	v51 =	vmul.f32 $5.000000000e-01, v7;
	v52 =	vshrl.u32 v6, $0x1;
	v53 =	vmul.f32 $5.000000000e-01, v6  }
0x70: {  	v8 =	vsub.s32 $0x5F3759DF, v8;
	v10 =	vsub.s32 $0x5F3759DF, v52  }
0x71: {  	v54 =	vmul.f32 v8, v51;
	v55 =	vmul.f32 v10, v53;
	_ =	sdelay $0x1  }
0x72: {  	v12 =	vmul.f32 v8, v54;
	v13 =	vmul.f32 v10, v55;
	_ =	sdelay $0x1  }
0x73: {  	v12 =	vsub.f32 $1.500000000e+00, v12;
	v13 =	vsub.f32 $1.500000000e+00, v13;
	_ =	sdelay $0x1  }
0x74: {  	v8 =	vmul.f32 v8, v12;
	v10 =	vmul.f32 v10, v13;
	_ =	sdelay $0x1  }
0x75: {  	v12 =	vmul.f32 v8, v51;
	v13 =	vmul.f32 v10, v53;
	_ =	sdelay $0x1  }
0x76: {  	v12 =	vmul.f32 v12, v8;
	v13 =	vmul.f32 v13, v10;
	_ =	sdelay $0x1  }
0x77: {  	v12 =	vsub.f32 $1.500000000e+00, v12;
	v13 =	vsub.f32 $1.500000000e+00, v13;
	_ =	sdelay $0x1  }
0x78: {  	v8 =	vmul.f32 v12, v8;
	v10 =	vmul.f32 v13, v10;
	_ =	sdelay $0x1  }
0x79: {  	v9 =	vmul.f32 v8, v51;
	v11 =	vmul.f32 v10, v53;
	_ =	sdelay $0x1  }
0x7a: {  	v9 =	vmul.f32 v9, v8;
	v11 =	vmul.f32 v11, v10;
	_ =	sdelay $0x1  }
0x7b: {  	v9 =	vsub.f32 $1.500000000e+00, v9;
	v11 =	vsub.f32 $1.500000000e+00, v11;
	_ =	sdelay $0x1  }
0x7c: {  	v8 =	vmul.f32 v9, v8;
	v56 =	vmul.f32 v11, v10;
	_ =	sdelay $0x1  }
0x7d: {  	v7 =	vmul.f32 v8, v7;
	v6 =	vmul.f32 v56, v6;
	_ =	sdelay $0x1  }
0x7e: {  	v6 =	vadd.f32 $9.999999960e-13, v6;
	v7 =	vadd.f32 $9.999999960e-13, v7;
	_ =	sdelay $0x1  }
0x7f: {  	v6 =	vmul.f32 v7, v6;
	_ =	sdelay $0x1  }
0x80: {  	(erf) = vrcp.f32 v6  }
0x81: {  	v57 =	vimm.s32 $0x87654321;
	v58 =	vimm.s32 $0x10FEDCBA;
	v59 =	vimm.s32 $0x98765432  }
0x82: {  	v60 =	vimm.s32 $0x3210FEDC;
	v0 =	vmul.f32 v0, v4;
	v1 =	vmul.f32 v1, v3  }
0x83: {  	v62 =	vimm.s32 $0xFEDCBA98;
	v61 =	vunpack.c.l.s4.s8 v60;
	s0 =	ssub.s32 $0x2, s0;
	v4 =	vunpack.c.l.s4.s8 v59  }
0x84: {  	s31 =	sshrl.u32 s0, $0x1;
	v2 =	vmul.f32 v5, v2;
	v0 =	vadd.f32 v1, v0;
	v1 =	vimm.s32 $0xBA987654  }
0x85: {  	s0 =	ssub.s32 s0, s31;
	v5 =	vimm.s32 $0x76543210;
	v4 =	vunpack.c.0.s8.s32 v4;
	v1 =	vunpack.c.l.s4.s8 v1  }
0x86: {  	s0 =	smax.u32 s0, $0x1;
	v5 =	vunpack.c.l.s4.s8 v5;
	v9 =	vunpack.c.l.s4.s8 v62;
	v7 =	vimm.s32 $0xFEDCBA9  }
0x87: {  	p0 =	sne.s32 s0, $0x1;
	v8 =	vunpack.c.l.s4.s8 v58;
	v7 =	vunpack.c.l.s4.s8 v7;
	v6 =	vunpack.c.l.s4.s8 v57  }
.Ltmp0:
0x88: {  	v0 =	vadd.f32 v0, v2;
	v1 =	vunpack.c.0.s8.s32 v1;
	v9 =	vunpack.c.0.s8.s32 v9;
	(pc) =	sbr.rel @!p0 .LBB2_2-.Ltmp0, $4  }
0x89: {  	v3 =	vunpack.c.0.s8.s32 v8;
	v7 =	vunpack.c.0.s8.s32 v7;
	v6 =	vunpack.c.0.s8.s32 v6;
	v2 =	vpop (erf)  }
0x8a: {  	v5 =	vunpack.c.0.s8.s32 v5;
	v8 =	vunpack.c.0.s8.s32 v61;
	v63 =	vmul.f32 v2, v0  }
0x8b: {  	v2 =	vcombine.low v6, v7;
	v0 =	vcombine.low v4, v3;
	v4 =	vand.u32 $0xF, v9  }
0x8c: {  	s31 =	simm.s32 $0xA80;
	s0 =	sadd.s32 $0xFFFFFFFF, s0;
	v3 =	vcombine.low v1, v8;
	v1 =	vcombine.low v4, v5;
	v4 =	vadd.f32 $1.000000000e+00, v63  }
.LBB2_1:
0x8d: {  	_ = 	snop  }
0x8e: {  	v5 =	vperm.xlane v4, v2;
	_ =	sdelay $0x1  }
0x8f: {  	v4 =	vadd.f32 v4, v5;
	_ =	sdelay $0x1  }
0x90: {  	v5 =	vperm.xlane v4, v0;
	_ =	sdelay $0x1  }
0x91: {  	v4 =	vadd.f32 v4, v5;
	_ =	sdelay $0x1  }
0x92: {  	v5 =	vperm.xlane v4, v3;
	_ =	sdelay $0x1  }
0x93: {  	v4 =	vadd.f32 v4, v5;
	_ =	sdelay $0x1  }
0x94: {  	v5 =	vperm.xlane v4, v1;
	_ =	sdelay $0x1  }
0x95: {  	v4 =	vadd.f32 v4, v5;
	_ =	sdelay $0x1  }
0x96: {  	s1 =	rddreg [dreg:$0x6];
	[tilespmem:$0xA80] =	vst v4  }
0x97: {  	[hbm4b:s1+s2] =	stream.linear.scatter [tilespmem:s31], [sflag:$0xA], $0x80, $0x38;
	[tilespmem:$0xB00] =	vst v63  }
0x98: {  	_ =	swait.ge [sflag:s3], $0x80  }
0x99: {  	[sflag:s3] =	ssyncset.done $0x0  }
0x9a: {  	[sflag:s3] =	ssyncadd.s32 $0xFFFFFF80  }
0x9b: {  	[tilespmem:s2], [sflag:$0xA] =	stream.linear.gather [hbm4b:s4+s2], $0x10, $0x38;
	[tilespmem:$0xB00] =	vst v63  }
0x9c: {  	_ =	swait.ge [sflag:s3], $0x10  }
0x9d: {  	s15 =	rddreg [dreg:$0x5];
	[sflag:s3] =	ssyncset.done $0x0  }
0x9e: {  	s13 =	rddreg [dreg:$0x7];
	[sflag:s3] =	ssyncadd.s32 $0xFFFFFFF0  }
0x9f: {  	[tilespmem:s13], [sflag:$0xA] =	stream.linear.gather [hbm4b:s15+s2], $0x10, $0x38;
	[tilespmem:$0xB00] =	vst v63  }
0xa0: {  	_ =	swait.ge [sflag:s3], $0x10  }
0xa1: {  	[sflag:s3] =	ssyncset.done $0x0  }
0xa2: {  	s1 =	rddreg [dreg:$0x2];
	[sflag:s3] =	ssyncadd.s32 $0xFFFFFFF0  }
0xa3: {  	[tilespmem:s6], [sflag:$0x1] =	stream.indirect.gather [hbm4b:s1+s5], $0x1, s2, s5, $0xb8;
	[tilespmem:$0xB00] =	vst v63  }
0xa4: {  	s13 =	rddreg [dreg:$0x3]  }
0xa5: {  	[tilespmem:s7], [sflag:$0x2] =	stream.indirect.gather [hbm4b:s13+s5], $0x1, s2, s5, $0xb8;
	[tilespmem:$0xB00] =	vst v63  }
0xa6: {  	s15 =	rddreg [dreg:$0x4]  }
0xa7: {  	[tilespmem:s8], [sflag:$0x3] =	stream.indirect.gather [hbm4b:s15+s5], $0x1, s2, s5, $0xb8;
	[tilespmem:$0xB00] =	vst v63  }
0xa8: {  	_ =	swait.ge [sflag:s9], $0x20  }
0xa9: {  	[sflag:s9] =	ssyncset.done $0x0  }
0xaa: {  	[sflag:s9] =	ssyncadd.s32 $0xFFFFFFE0  }
0xab: {  	_ =	swait.ge [sflag:s10], $0x20  }
0xac: {  	[sflag:s10] =	ssyncset.done $0x0  }
0xad: {  	[sflag:s10] =	ssyncadd.s32 $0xFFFFFFE0  }
0xae: {  	_ =	swait.ge [sflag:s11], $0x20  }
0xaf: {  	[sflag:s11] =	ssyncset.done $0x0  }
0xb0: {  	s13 =	simm.s32 $0x280;
	[sflag:s11] =	ssyncadd.s32 $0xFFFFFFE0  }
0xb1: {  	[tilespmem:s13], [sflag:$0x1] =	stream.indirect.gather [hbm4b:s12+s5], $0x1, s6, s5, $0xb8;
	[tilespmem:$0xB00] =	vst v63  }
0xb2: {  	s15 =	simm.s32 $0x300  }
0xb3: {  	[tilespmem:s15], [sflag:$0x2] =	stream.indirect.gather [hbm4b:s14+s5], $0x1, s6, s5, $0xb8;
	[tilespmem:$0xB00] =	vst v63  }
0xb4: {  	_ = 	snop  }
0xb5: {  	[tilespmem:s17], [sflag:$0x3] =	stream.indirect.gather [hbm4b:s16+s5], $0x1, s6, s5, $0xb8;
	[tilespmem:$0xB00] =	vst v63  }
0xb6: {  	_ = 	snop  }
0xb7: {  	[tilespmem:s18], [sflag:$0x4] =	stream.indirect.gather [hbm4b:s12+s5], $0x1, s7, s5, $0xb8;
	[tilespmem:$0xB00] =	vst v63  }
0xb8: {  	_ = 	snop  }
0xb9: {  	[tilespmem:s19], [sflag:$0x5] =	stream.indirect.gather [hbm4b:s14+s5], $0x1, s7, s5, $0xb8;
	[tilespmem:$0xB00] =	vst v63  }
0xba: {  	_ = 	snop  }
0xbb: {  	[tilespmem:s20], [sflag:$0x6] =	stream.indirect.gather [hbm4b:s16+s5], $0x1, s7, s5, $0xb8;
	[tilespmem:$0xB00] =	vst v63  }
0xbc: {  	_ = 	snop  }
0xbd: {  	[tilespmem:s21], [sflag:$0x7] =	stream.indirect.gather [hbm4b:s12+s5], $0x1, s8, s5, $0xb8;
	[tilespmem:$0xB00] =	vst v63  }
0xbe: {  	_ = 	snop  }
0xbf: {  	[tilespmem:s22], [sflag:$0x8] =	stream.indirect.gather [hbm4b:s14+s5], $0x1, s8, s5, $0xb8;
	[tilespmem:$0xB00] =	vst v63  }
0xc0: {  	_ = 	snop  }
0xc1: {  	[tilespmem:s23], [sflag:$0x9] =	stream.indirect.gather [hbm4b:s16+s5], $0x1, s8, s5, $0xb8;
	[tilespmem:$0xB00] =	vst v63  }
0xc2: {  	_ =	swait.ge [sflag:s9], $0x20  }
0xc3: {  	[sflag:s9] =	ssyncset.done $0x0  }
0xc4: {  	[sflag:s9] =	ssyncadd.s32 $0xFFFFFFE0  }
0xc5: {  	_ =	swait.ge [sflag:s10], $0x20  }
0xc6: {  	[sflag:s10] =	ssyncset.done $0x0  }
0xc7: {  	[sflag:s10] =	ssyncadd.s32 $0xFFFFFFE0  }
0xc8: {  	_ =	swait.ge [sflag:s11], $0x20  }
0xc9: {  	[sflag:s11] =	ssyncset.done $0x0  }
0xca: {  	[sflag:s11] =	ssyncadd.s32 $0xFFFFFFE0  }
0xcb: {  	_ =	swait.ge [sflag:s24], $0x20  }
0xcc: {  	[sflag:s24] =	ssyncset.done $0x0  }
0xcd: {  	[sflag:s24] =	ssyncadd.s32 $0xFFFFFFE0  }
0xce: {  	_ =	swait.ge [sflag:s25], $0x20  }
0xcf: {  	[sflag:s25] =	ssyncset.done $0x0  }
0xd0: {  	[sflag:s25] =	ssyncadd.s32 $0xFFFFFFE0  }
0xd1: {  	_ =	swait.ge [sflag:s26], $0x20  }
0xd2: {  	[sflag:s26] =	ssyncset.done $0x0  }
0xd3: {  	[sflag:s26] =	ssyncadd.s32 $0xFFFFFFE0  }
0xd4: {  	_ =	swait.ge [sflag:s28], $0x20  }
0xd5: {  	[sflag:s28] =	ssyncset.done $0x0  }
0xd6: {  	[sflag:s28] =	ssyncadd.s32 $0xFFFFFFE0  }
0xd7: {  	_ =	swait.ge [sflag:s29], $0x20  }
0xd8: {  	[sflag:s29] =	ssyncset.done $0x0  }
0xd9: {  	[sflag:s29] =	ssyncadd.s32 $0xFFFFFFE0  }
0xda: {  	_ =	swait.ge [sflag:s30], $0x20  }
0xdb: {  	[sflag:s30] =	ssyncset.done $0x0  }
0xdc: {  	[sflag:s30] =	ssyncadd.s32 $0xFFFFFFE0  }
0xdd: {  	v4 =	vld [tilespmem:$0x690]  }
0xde: {  	v5 =	vld [tilespmem:$0x590]  }
0xdf: {  	v6 =	vld [tilespmem:$0x610]  }
0xe0: {  	v7 =	vld [tilespmem:$0x680]  }
0xe1: {  	v8 =	vld [tilespmem:$0x500]  }
0xe2: {  	v9 =	vld [tilespmem:$0x410]  }
0xe3: {  	v10 =	vld [tilespmem:$0x580]  }
0xe4: {  	v12 =	vld [tilespmem:$0x490]  }
0xe5: {  	v13 =	vld [tilespmem:$0x480]  }
0xe6: {  	v14 =	vld [tilespmem:$0x310]  }
0xe7: {  	v15 =	vld [tilespmem:$0x390]  }
0xe8: {  	v16 =	vld [tilespmem:$0x290]  }
0xe9: {  	v17 =	vld [tilespmem:$0x380]  }
0xea: {  	v18 =	vld [tilespmem:$0x280]  }
0xeb: {  	v19 =	vld [tilespmem:$0x300]  }
0xec: {  	v11 =	vld [tilespmem:$0x600];
	v6 =	vsub.f32 v6, v14  }
0xed: {  	v20 =	vld [tilespmem:$0x510];
	v4 =	vsub.f32 v4, v15;
	v9 =	vsub.f32 v9, v16  }
0xee: {  	v21 =	vld [tilespmem:$0x400];
	v12 =	vsub.f32 v12, v14;
	v8 =	vsub.f32 v8, v17  }
0xef: {  	v5 =	vsub.f32 v5, v16;
	v10 =	vsub.f32 v10, v18  }
0xf0: {  	v7 =	vsub.f32 v7, v17;
	v13 =	vsub.f32 v13, v19;
	v49 =	vmul.f32 v4, v9  }
0xf1: {  	v11 =	vsub.f32 v11, v19;
	v16 =	vmul.f32 v5, v12;
	v50 =	vmul.f32 v10, v8  }
0xf2: {  	v15 =	vsub.f32 v20, v15;
	v9 =	vmul.f32 v6, v9;
	v51 =	vmul.f32 v7, v13  }
0xf3: {  	v18 =	vsub.f32 v21, v18;
	v10 =	vmul.f32 v10, v13;
	v4 =	vmul.f32 v4, v12  }
0xf4: {  	v6 =	vmul.f32 v6, v15;
	v5 =	vmul.f32 v5, v15  }
0xf5: {  	v8 =	vmul.f32 v11, v8;
	v7 =	vmul.f32 v7, v18;
	v9 =	vsub.f32 v9, v16  }
0xf6: {  	v52 =	vmul.f32 v11, v18;
	v4 =	vsub.f32 v4, v6;
	v5 =	vsub.f32 v5, v49  }
0xf7: {  	v8 =	vsub.f32 v51, v8;
	v7 =	vsub.f32 v50, v7  }
0xf8: {  	v6 =	vsub.f32 v52, v10;
	v53 =	vmul.f32 v4, v4;
	v54 =	vmul.f32 v5, v5  }
0xf9: {  	v55 =	vmul.f32 v8, v8;
	v56 =	vmul.f32 v7, v7  }
0xfa: {  	v10 =	vmul.f32 v9, v6;
	v9 =	vmul.f32 v9, v9;
	v11 =	vadd.f32 v54, v53  }
0xfb: {  	v6 =	vmul.f32 v6, v6;
	v57 =	vadd.f32 v56, v55  }
0xfc: {  	v4 =	vmul.f32 v4, v8;
	v5 =	vmul.f32 v5, v7;
	v7 =	vadd.f32 v11, v9  }
0xfd: {  	v6 =	vadd.f32 v57, v6  }
0xfe: {  	v4 =	vadd.f32 v5, v4;
	v5 =	vshrl.u32 v7, $0x1  }
0xff: {  	v58 =	vmul.f32 $5.000000000e-01, v7;
	v59 =	vshrl.u32 v6, $0x1;
	v60 =	vmul.f32 $5.000000000e-01, v6  }
0x100: {  	v5 =	vsub.s32 $0x5F3759DF, v5;
	v9 =	vsub.s32 $0x5F3759DF, v59  }
0x101: {  	v61 =	vmul.f32 v5, v58;
	v62 =	vmul.f32 v9, v60;
	_ =	sdelay $0x1  }
0x102: {  	v12 =	vmul.f32 v5, v61;
	v13 =	vmul.f32 v9, v62;
	_ =	sdelay $0x1  }
0x103: {  	v12 =	vsub.f32 $1.500000000e+00, v12;
	v13 =	vsub.f32 $1.500000000e+00, v13;
	_ =	sdelay $0x1  }
0x104: {  	v5 =	vmul.f32 v5, v12;
	v9 =	vmul.f32 v9, v13;
	_ =	sdelay $0x1  }
0x105: {  	v12 =	vmul.f32 v5, v58;
	v13 =	vmul.f32 v9, v60;
	_ =	sdelay $0x1  }
0x106: {  	v12 =	vmul.f32 v12, v5;
	v13 =	vmul.f32 v13, v9;
	_ =	sdelay $0x1  }
0x107: {  	v12 =	vsub.f32 $1.500000000e+00, v12;
	v13 =	vsub.f32 $1.500000000e+00, v13;
	_ =	sdelay $0x1  }
0x108: {  	v5 =	vmul.f32 v12, v5;
	v9 =	vmul.f32 v13, v9;
	_ =	sdelay $0x1  }
0x109: {  	v8 =	vmul.f32 v5, v58;
	v11 =	vmul.f32 v9, v60;
	_ =	sdelay $0x1  }
0x10a: {  	v8 =	vmul.f32 v8, v5;
	v11 =	vmul.f32 v11, v9;
	_ =	sdelay $0x1  }
0x10b: {  	v8 =	vsub.f32 $1.500000000e+00, v8;
	v11 =	vsub.f32 $1.500000000e+00, v11;
	_ =	sdelay $0x1  }
0x10c: {  	v5 =	vmul.f32 v8, v5;
	v63 =	vmul.f32 v11, v9;
	_ =	sdelay $0x1  }
0x10d: {  	v5 =	vmul.f32 v5, v7;
	v6 =	vmul.f32 v63, v6;
	_ =	sdelay $0x1  }
0x10e: {  	v6 =	vadd.f32 $9.999999960e-13, v6;
	v5 =	vadd.f32 $9.999999960e-13, v5;
	_ =	sdelay $0x1  }
0x10f: {  	v5 =	vmul.f32 v5, v6;
	_ =	sdelay $0x1  }
0x110: {  	(erf) = vrcp.f32 v5;
	_ =	sdelay $0x6  }
0x111: {  	p0 =	sne.s32 s0, $0x1  }
.Ltmp1:
0x112: {  	v4 =	vadd.f32 v4, v10;
	(pc) =	sbr.rel @p0 .LBB2_1-.Ltmp1, $3  }
0x113: {  	v5 =	vpop (erf)  }
0x114: {  	v4 =	vmul.f32 v5, v4;
	_ =	sdelay $0x1  }
0x115: {  	s0 =	sadd.s32 $0xFFFFFFFF, s0;
	v4 =	vadd.f32 $1.000000000e+00, v4  }
.LBB2_2:
0x116: {  	_ = 	snop  }
0x117: {  	v2 =	vperm.xlane v4, v2;
	_ =	sdelay $0x1  }
0x118: {  	v2 =	vadd.f32 v4, v2;
	_ =	sdelay $0x1  }
0x119: {  	v0 =	vperm.xlane v2, v0;
	_ =	sdelay $0x1  }
0x11a: {  	v0 =	vadd.f32 v2, v0;
	_ =	sdelay $0x1  }
0x11b: {  	v2 =	vperm.xlane v0, v3;
	_ =	sdelay $0x1  }
0x11c: {  	v0 =	vadd.f32 v0, v2;
	_ =	sdelay $0x1  }
0x11d: {  	v1 =	vperm.xlane v0, v1;
	_ =	sdelay $0x1  }
0x11e: {  	v0 =	vadd.f32 v0, v1;
	_ =	sdelay $0x1  }
0x11f: {  	s0 =	rddreg [dreg:$0x6];
	[tilespmem:$0xA80] =	vst v0  }
0x120: {  	[hbm4b:s0+s2] =	stream.linear.scatter [tilespmem:s31], [sflag:$0xA], $0x80, $0x38;
	[tilespmem:$0xB00] =	vst v63  }
0x121: {  	_ =	swait.ge [sflag:s3], $0x80  }
0x122: {  	[sflag:s3] =	ssyncset.done $0x0  }
0x123: {  	[sflag:s3] =	ssyncadd.s32 $0xFFFFFF80  }
0x124: {  	_ =	sfence.sel $0x180000  }
0x125: {  	[bflag:$0x0] =	sbarrier.arrive $0xFFFF  }
0x126: {  	_ =	strace $0x90000047  }
0x127: {  	s31 =	stileid.u32;
	[bflag:$0x2] =	sbarrier.arrive $0xFFFF  }
0x128: {  	p0 =	sne.s32 s31, $0x0;
	s0 =	rddreg [dreg:$0x1]  }
0x129: {  	s0 =	sadd.s32 @!p0 $0x100000, s0  }
0x12a: {  	[sflag:s0] =	ssyncadd.tile.s32 @!p0 $0x1;
	_ =	shalt  }
.Lfunc_end2:
_tile_overlayer_lowered:
.L_overlay_start_2:
0x12b: {  	(tag) =	ssettag $0x2  }
0x12c: {  	s0 =	rddreg [dreg:$0x0];
	s2 =	stileid.u32  }
0x12d: {  	s1 =	rddreg [dreg:$0x1];
	p0 =	sne.s32 s2, $0x0  }
0x12e: {  	s3 =	rddreg [dreg:$0x2];
	[bflag:$0x3] =	sbarrier.arrive $0xFFFF;
	s2 =	simm.s32 @!p0 $0x1C0A  }
0x12f: {  	[timem:s3], [sflag:s2] =	dma.local @!p0 [hbm:s0], s1  }
0x130: {  	s0 =	simm.s32 @!p0 $0xA  }
0x131: {  	_ =	swait.ge @!p0 [sflag:s0], s1  }
0x132: {  	s1 =	ssub.s32 @!p0 $0x0, s1;
	[sflag:s0] =	ssyncset.done @!p0 $0x0  }
0x133: {  	[sflag:s0] =	ssyncadd.s32 @!p0 s1  }
0x134: {  	[bflag:$0x3] =	sbarrier.arrive $0xFFFF  }
0x135: {  	_ =	shalt  }

</sc_bundles>
